<compile_context>
chip_gen: v7x
topology: tpu7x:2x2x1
jax: 0.10.2.dev20260603
libtpu: 0.0.44.dev20260713+nightly
codegen_flags: <defaults>
</compile_context>

<pallas_src>
import jax
import jax.numpy as jnp
from jax.experimental import pallas as pl
from jax.experimental.pallas import tpu as pltpu

B, H, HKV, D, DV = 32, 32, 4, 128, 128
T, BN, S = 4096, 64, 48
GROUP = H // HKV
NBLK = T // BN
CHUNK = 8
NCHUNK = NBLK // CHUNK
CW = HKV * D
HB = BN // 2
SCALE = (1.0 / D) ** 0.5
TWO112 = 5.192296858534828e33


def _decode_f16_pairs(w):

    def dec(bits):
        f32_bits = ((bits & 0x8000) << 16) | ((bits & 0x7FFF) << 13)
        return pltpu.bitcast(f32_bits, jnp.float32) * jnp.float32(TWO112)

    return dec(w & 0xFFFF), dec((w >> 16) & 0xFFFF)


def _body(blkmap_ref, nsteps_ref, cnts_ref, seq_ref, qbd_ref,
          k0, k1, k2, k3, k4, k5, k6, k7,
          v0, v1, v2, v3, v4, v5, v6, v7, o_ref, acc_ref, l_ref):
    b = pl.program_id(0)
    s = pl.program_id(1)

    @pl.when(s == 0)
    def _init():
        acc_ref[...] = jnp.zeros_like(acc_ref)
        l_ref[...] = jnp.zeros_like(l_ref)

    @pl.when(s * CHUNK < nsteps_ref[b])
    def _step():
        qbd = qbd_ref[0]
        w_k = jnp.concatenate([k0[...], k1[...], k2[...], k3[...], k4[...], k5[...], k6[...], k7[...]], axis=0)
        kfe, kfo = _decode_f16_pairs(w_k)
        nt = (((1,), (1,)), ((), ()))
        se = jax.lax.dot_general(qbd, kfe, nt,
                                 preferred_element_type=jnp.float32) * SCALE
        so = jax.lax.dot_general(qbd, kfo, nt,
                                 preferred_element_type=jnp.float32) * SCALE

        lane = jax.lax.broadcasted_iota(jnp.int32, (H, CHUNK * HB), 1)
        sub = lane // HB
        seqlen = seq_ref[b]
        nact = nsteps_ref[b]
        rh = jax.lax.broadcasted_iota(jnp.int32, (H, CHUNK * HB), 0) // GROUP

        pos = 2 * (lane % HB)
        cntf = jnp.zeros((H, CHUNK * HB), jnp.float32)
        for j in range(CHUNK):
            blk_j = blkmap_ref[b, s * CHUNK + j]
            pw_j = cnts_ref[b, blk_j]
            c_j = jnp.where(
                rh < 2,
                jnp.where(rh == 0, pw_j & 0xFF, (pw_j >> 8) & 0xFF),
                jnp.where(rh == 2, (pw_j >> 16) & 0xFF, (pw_j >> 24) & 0xFF),
            ).astype(jnp.float32)
            in_j = sub == j
            pos = jnp.where(in_j, pos + blk_j * BN, pos)
            live_j = s * CHUNK + j < nact
            cntf = jnp.where(in_j & live_j, c_j, cntf)

        p_e = jnp.exp(se) * jnp.where(pos < seqlen, cntf, 0.0)
        p_o = jnp.exp(so) * jnp.where(pos + 1 < seqlen, cntf, 0.0)
        l_ref[...] = l_ref[...] + (
            jnp.sum(p_e, axis=1, keepdims=True)
            + jnp.sum(p_o, axis=1, keepdims=True)
        )

        w_v = jnp.concatenate([v0[...], v1[...], v2[...], v3[...], v4[...], v5[...], v6[...], v7[...]], axis=0)
        vfe, vfo = _decode_f16_pairs(w_v)
        nn = (((1,), (0,)), ((), ()))
        acc_ref[...] = acc_ref[...] + (
            jax.lax.dot_general(p_e, vfe, nn,
                                preferred_element_type=jnp.float32)
            + jax.lax.dot_general(p_o, vfo, nn,
                                  preferred_element_type=jnp.float32)
        )

    @pl.when(s == NCHUNK - 1)
    def _fin():
        l = jnp.max(l_ref[...], axis=1, keepdims=True)
        rh = jax.lax.broadcasted_iota(jnp.int32, (H, 1), 0) // GROUP
        o = jnp.zeros((H, DV), jnp.float32)
        for h in range(HKV):
            o = o + jnp.where(rh == h, acc_ref[:, h * DV:(h + 1) * DV], 0.0)
        inv = jnp.where(l > 0, 1.0 / jnp.maximum(l, 1e-30), 0.0)
        o_ref[...] = o * inv


def _kv_spec(j):
    return pl.BlockSpec(
        (HB, CW),
        lambda b, s, bm, ns, cn, sq, j=j: (b * NBLK + bm[b, s * CHUNK + j], 0),
    )


def _sweep(blkmap, nsteps, cnts, seqlens, Qbd, K32, V32, interpret=False):
    grid_spec = pltpu.PrefetchScalarGridSpec(
        num_scalar_prefetch=4,
        grid=(B, NCHUNK),
        in_specs=[
            pl.BlockSpec((1, H, CW), lambda b, s, *refs: (b, 0, 0)),
            *[_kv_spec(j) for j in range(CHUNK)],
            *[_kv_spec(j) for j in range(CHUNK)],
        ],
        out_specs=pl.BlockSpec((H, DV), lambda b, s, *refs: (b, 0)),
        scratch_shapes=[
            pltpu.VMEM((H, CW), jnp.float32),
            pltpu.VMEM((H, 128), jnp.float32),
        ],
    )
    return pl.pallas_call(
        _body,
        grid_spec=grid_spec,
        out_shape=jax.ShapeDtypeStruct((B * H, DV), jnp.float32),
        compiler_params=pltpu.CompilerParams(
            dimension_semantics=("parallel", "arbitrary"),
        ),
        interpret=interpret,
    )(blkmap, nsteps, cnts, seqlens, Qbd,
      *([K32] * CHUNK), *([V32] * CHUNK))


def _prep(Q, block_indices, cache_seqlens):
    onehot = (block_indices[..., None] ==
              jnp.arange(NBLK, dtype=jnp.int32)).astype(jnp.int32)
    cnt = onehot.sum(axis=2)
    packed = (cnt[:, 0] | (cnt[:, 1] << 8) | (cnt[:, 2] << 16)
              | (cnt[:, 3] << 24)).astype(jnp.int32)

    blk_ids = jnp.arange(NBLK, dtype=jnp.int32)
    used = (cnt.sum(axis=1) > 0) & (blk_ids[None, :] * BN < cache_seqlens[:, None])
    nsteps = used.sum(axis=1).astype(jnp.int32)
    order = jnp.argsort(~used, axis=1, stable=True).astype(jnp.int32)
    step_ids = jnp.minimum(jnp.arange(NBLK, dtype=jnp.int32)[None, :],
                           jnp.maximum(nsteps - 1, 0)[:, None])
    blkmap = jnp.take_along_axis(order, step_ids, axis=1)

    rh = jnp.arange(H, dtype=jnp.int32)[:, None] // GROUP
    ch = jnp.arange(CW, dtype=jnp.int32)[None, :] // D
    diag = (rh == ch).astype(jnp.float32)
    Qbd = jnp.tile(Q.astype(jnp.float32), (1, 1, HKV)) * diag[None]
    return blkmap, nsteps, packed, Qbd


def _pack_rows(X):
    R = X.shape[0]
    return jax.lax.bitcast_convert_type(
        X.reshape(R // 2, 2, CW).swapaxes(1, 2), jnp.int32)


def kernel(Q, K, V, block_indices, cache_seqlens):
    blkmap, nsteps, packed, Qbd = _prep(Q, block_indices, cache_seqlens)
    K32 = _pack_rows(K.reshape(B * T, CW))
    V32 = _pack_rows(V.reshape(B * T, CW))
    out = _sweep(blkmap, nsteps, packed, cache_seqlens, Qbd, K32, V32)
    return out.reshape(B, H, DV).astype(jnp.float16)

# --- scband reference (transcript-rebuilt; emitter-appended) ---
"""Pipeline reference for scband-sparse-flash-attn-36687610643006 (READ-ONLY COPY).

The authoritative reference and input builder live on the scoring server;
editing this copy changes nothing except your own understanding.
"""

import jax, jax.numpy as jnp
import numpy as np

B, H, HKV, D, DV = 32, 32, 4, 128, 128
T, BN, S = 4096, 64, 48
GROUP = H // HKV
SCALE = (1.0 / D) ** 0.5


def setup_inputs(seed: int = 0):
    key = jax.random.key(seed)
    ks = jax.random.split(key, 5)
    Q = jax.random.normal(ks[0], (B, H, D), jnp.float32).astype(jnp.float16)
    K = jax.random.normal(ks[1], (B, T, HKV, D), jnp.float32).astype(jnp.float16)
    V = jax.random.normal(ks[2], (B, T, HKV, DV), jnp.float32).astype(jnp.float16)
    block_indices = jax.random.randint(ks[3], (B, HKV, S), 0, T // BN).astype(jnp.int32)
    cache_seqlens = jax.random.randint(ks[4], (B,), 0, T).astype(jnp.int32)
    return {"Q": Q, "K": K, "V": V, "block_indices": block_indices, "cache_seqlens": cache_seqlens}


def _attend(Q, K, V, block_indices, cache_seqlens):
    # positions covered by each selected KV block: [B, HKV, S, BN]
    pos = block_indices[..., None] * BN + jnp.arange(BN, dtype=jnp.int32)
    valid = (block_indices[..., None] >= 0) & (pos < cache_seqlens[:, None, None, None])
    pos_f = pos.reshape(B, HKV, S * BN)
    valid_f = valid.reshape(B, HKV, S * BN)
    pos_c = jnp.clip(pos_f, 0, T - 1)
    # gather selected K/V blocks per (batch, kv_head)
    K_t = jnp.transpose(K, (0, 2, 1, 3))  # [B, HKV, T, D]
    V_t = jnp.transpose(V, (0, 2, 1, 3))  # [B, HKV, T, DV]
    K_sel = jnp.take_along_axis(K_t, pos_c[..., None], axis=2).astype(jnp.float32)
    V_sel = jnp.take_along_axis(V_t, pos_c[..., None], axis=2).astype(jnp.float32)
    # GQA: group query heads onto their kv head
    Qr = Q.reshape(B, HKV, GROUP, D).astype(jnp.float32)
    scores = jnp.einsum('bhgd,bhnd->bhgn', Qr, K_sel) * SCALE
    neg = jnp.float32(-1e30)
    scores = jnp.where(valid_f[:, :, None, :], scores, neg)
    m = jnp.max(scores, axis=-1, keepdims=True)
    p = jnp.exp(scores - m)
    p = jnp.where(valid_f[:, :, None, :], p, 0.0)
    denom = jnp.sum(p, axis=-1, keepdims=True)
    o = jnp.einsum('bhgn,bhnv->bhgv', p, V_sel)
    o = jnp.where(denom > 0, o / jnp.maximum(denom, 1e-30), 0.0)
    return o.reshape(B, H, DV)


def reference(Q, K, V, block_indices, cache_seqlens):
    return _attend(Q, K, V, block_indices, cache_seqlens).astype(jnp.float16)

if __name__ == "__main__":
    import jax
    _d = setup_inputs()
    print(jax.jit(kernel)(*tuple(_d.values())))

</pallas_src>

<mosaic_0001>
module attributes {stable_mosaic.version = 14 : i64} {
  func.func @_body(%arg0: i32, %arg1: i32, %arg2: memref<32x64xi32, #tpu.memory_space<smem>>, %arg3: memref<32xi32, #tpu.memory_space<smem>>, %arg4: memref<32x64xi32, #tpu.memory_space<smem>>, %arg5: memref<32xi32, #tpu.memory_space<smem>>, %arg6: memref<1x32x512xf32, #tpu.memory_space<vmem>>, %arg7: memref<32x512xi32, #tpu.memory_space<vmem>>, %arg8: memref<32x512xi32, #tpu.memory_space<vmem>>, %arg9: memref<32x512xi32, #tpu.memory_space<vmem>>, %arg10: memref<32x512xi32, #tpu.memory_space<vmem>>, %arg11: memref<32x512xi32, #tpu.memory_space<vmem>>, %arg12: memref<32x512xi32, #tpu.memory_space<vmem>>, %arg13: memref<32x512xi32, #tpu.memory_space<vmem>>, %arg14: memref<32x512xi32, #tpu.memory_space<vmem>>, %arg15: memref<32x512xi32, #tpu.memory_space<vmem>>, %arg16: memref<32x512xi32, #tpu.memory_space<vmem>>, %arg17: memref<32x512xi32, #tpu.memory_space<vmem>>, %arg18: memref<32x512xi32, #tpu.memory_space<vmem>>, %arg19: memref<32x512xi32, #tpu.memory_space<vmem>>, %arg20: memref<32x512xi32, #tpu.memory_space<vmem>>, %arg21: memref<32x512xi32, #tpu.memory_space<vmem>>, %arg22: memref<32x512xi32, #tpu.memory_space<vmem>>, %arg23: memref<32x128xf32, #tpu.memory_space<vmem>>, %arg24: memref<32x512xf32, #tpu.memory_space<vmem>>, %arg25: memref<32x128xf32, #tpu.memory_space<vmem>>) attributes {dimension_semantics = [#tpu.dimension_semantics<parallel>, #tpu.dimension_semantics<arbitrary>], iteration_bounds = array<i64: 32, 8>, scalar_prefetch = 4 : i64, scratch_operands = 2 : i64, tpu.core_type = #tpu.core_type<tc>, window_params = [{transform_indices = @transform_0, window_bounds = array<i64: 1, 32, 512>}, {transform_indices = @transform_1, window_bounds = array<i64: 32, 512>}, {transform_indices = @transform_2, window_bounds = array<i64: 32, 512>}, {transform_indices = @transform_3, window_bounds = array<i64: 32, 512>}, {transform_indices = @transform_4, window_bounds = array<i64: 32, 512>}, {transform_indices = @transform_5, window_bounds = array<i64: 32, 512>}, {transform_indices = @transform_6, window_bounds = array<i64: 32, 512>}, {transform_indices = @transform_7, window_bounds = array<i64: 32, 512>}, {transform_indices = @transform_8, window_bounds = array<i64: 32, 512>}, {transform_indices = @transform_9, window_bounds = array<i64: 32, 512>}, {transform_indices = @transform_10, window_bounds = array<i64: 32, 512>}, {transform_indices = @transform_11, window_bounds = array<i64: 32, 512>}, {transform_indices = @transform_12, window_bounds = array<i64: 32, 512>}, {transform_indices = @transform_13, window_bounds = array<i64: 32, 512>}, {transform_indices = @transform_14, window_bounds = array<i64: 32, 512>}, {transform_indices = @transform_15, window_bounds = array<i64: 32, 512>}, {transform_indices = @transform_16, window_bounds = array<i64: 32, 512>}, {transform_indices = @transform_17, window_bounds = array<i64: 32, 128>}]} {
    %eq3A = arith.constant 0 : i32
    %eq3A_0 = arith.cmpi eq, %arg1, %eq3A : i32
    %convert_element_type3A = arith.extui %eq3A_0 : i1 to i32
    %cond3A = arith.constant 0 : i32
    %cond3A_1 = arith.cmpi ne, %convert_element_type3A, %cond3A : i32
    scf.if %cond3A_1 {
      %broadcast_in_dim3A = arith.constant 0.000000e+00 : f32
      %broadcast_in_dim3A_12 = vector.broadcast %broadcast_in_dim3A : f32 to vector<32x512xf32>
      %swap3A = arith.constant 0 : index
      %swap3A_13 = arith.constant 0 : index
      %swap3A_14 = vector.load %arg24[%swap3A, %swap3A_13] : memref<32x512xf32, #tpu.memory_space<vmem>>, vector<32x512xf32>
      tpu.vector_store %arg24[%swap3A, %swap3A_13], %broadcast_in_dim3A_12 {strides = array<i32>} : memref<32x512xf32, #tpu.memory_space<vmem>>, vector<32x512xf32>,
      %broadcast_in_dim3A_15 = arith.constant 0.000000e+00 : f32
      %broadcast_in_dim3A_16 = vector.broadcast %broadcast_in_dim3A_15 : f32 to vector<32x128xf32>
      %swap3A_17 = arith.constant 0 : index
      %swap3A_18 = arith.constant 0 : index
      %swap3A_19 = vector.load %arg25[%swap3A_17, %swap3A_18] : memref<32x128xf32, #tpu.memory_space<vmem>>, vector<32x128xf32>
      tpu.vector_store %arg25[%swap3A_17, %swap3A_18], %broadcast_in_dim3A_16 {strides = array<i32>} : memref<32x128xf32, #tpu.memory_space<vmem>>, vector<32x128xf32>,
    } else {
    }
    %mul3A = arith.constant 8 : i32
    %mul3A_2 = arith.muli %arg1, %mul3A : i32
    %get3A = arith.index_cast %arg0 : i32 to index
    %get3A_3 = memref.load %arg3[%get3A] : memref<32xi32, #tpu.memory_space<smem>>
    %lt3A = arith.cmpi slt, %mul3A_2, %get3A_3 : i32
    %convert_element_type3A_4 = arith.extui %lt3A : i1 to i32
    %cond3A_5 = arith.constant 0 : i32
    %cond3A_6 = arith.cmpi ne, %convert_element_type3A_4, %cond3A_5 : i32
    scf.if %cond3A_6 {
      %get3A_12 = arith.constant 0 : index
      %get3A_13 = arith.constant 0 : index
      %get3A_14 = arith.constant 0 : index
      %get3A_15 = vector.load %arg6[%get3A_12, %get3A_13, %get3A_14] : memref<1x32x512xf32, #tpu.memory_space<vmem>>, vector<1x32x512xf32>
      %get3A_16 = vector.shape_cast %get3A_15 : vector<1x32x512xf32> to vector<32x512xf32>
      %get3A_17 = arith.constant 0 : index
      %get3A_18 = arith.constant 0 : index
      %get3A_19 = vector.load %arg7[%get3A_17, %get3A_18] : memref<32x512xi32, #tpu.memory_space<vmem>>, vector<32x512xi32>
      %get3A_20 = arith.constant 0 : index
      %get3A_21 = arith.constant 0 : index
      %get3A_22 = vector.load %arg8[%get3A_20, %get3A_21] : memref<32x512xi32, #tpu.memory_space<vmem>>, vector<32x512xi32>
      %get3A_23 = arith.constant 0 : index
      %get3A_24 = arith.constant 0 : index
      %get3A_25 = vector.load %arg9[%get3A_23, %get3A_24] : memref<32x512xi32, #tpu.memory_space<vmem>>, vector<32x512xi32>
      %get3A_26 = arith.constant 0 : index
      %get3A_27 = arith.constant 0 : index
      %get3A_28 = vector.load %arg10[%get3A_26, %get3A_27] : memref<32x512xi32, #tpu.memory_space<vmem>>, vector<32x512xi32>
      %get3A_29 = arith.constant 0 : index
      %get3A_30 = arith.constant 0 : index
      %get3A_31 = vector.load %arg11[%get3A_29, %get3A_30] : memref<32x512xi32, #tpu.memory_space<vmem>>, vector<32x512xi32>
      %get3A_32 = arith.constant 0 : index
      %get3A_33 = arith.constant 0 : index
      %get3A_34 = vector.load %arg12[%get3A_32, %get3A_33] : memref<32x512xi32, #tpu.memory_space<vmem>>, vector<32x512xi32>
      %get3A_35 = arith.constant 0 : index
      %get3A_36 = arith.constant 0 : index
      %get3A_37 = vector.load %arg13[%get3A_35, %get3A_36] : memref<32x512xi32, #tpu.memory_space<vmem>>, vector<32x512xi32>
      %get3A_38 = arith.constant 0 : index
      %get3A_39 = arith.constant 0 : index
      %get3A_40 = vector.load %arg14[%get3A_38, %get3A_39] : memref<32x512xi32, #tpu.memory_space<vmem>>, vector<32x512xi32>
      %concatenate3A = tpu.concatenate %get3A_19, %get3A_22, %get3A_25, %get3A_28, %get3A_31, %get3A_34, %get3A_37, %get3A_40 in 0 : vector<32x512xi32>, vector<32x512xi32>, vector<32x512xi32>, vector<32x512xi32>, vector<32x512xi32>, vector<32x512xi32>, vector<32x512xi32>, vector<32x512xi32> -> vector<256x512xi32>
      %and3A = arith.constant 65535 : i32
      %and3A_41 = vector.broadcast %and3A : i32 to vector<256x512xi32>
      %and3A_42 = arith.andi %concatenate3A, %and3A_41 : vector<256x512xi32>
      %and3A_43 = arith.constant 32768 : i32
      %and3A_44 = vector.broadcast %and3A_43 : i32 to vector<256x512xi32>
      %and3A_45 = arith.andi %and3A_42, %and3A_44 : vector<256x512xi32>
      %shift_left3A = arith.constant 16 : i32
      %shift_left3A_46 = vector.broadcast %shift_left3A : i32 to vector<256x512xi32>
      %shift_left3A_47 = arith.shli %and3A_45, %shift_left3A_46 : vector<256x512xi32>
      %and3A_48 = arith.constant 32767 : i32
      %and3A_49 = vector.broadcast %and3A_48 : i32 to vector<256x512xi32>
      %and3A_50 = arith.andi %and3A_42, %and3A_49 : vector<256x512xi32>
      %shift_left3A_51 = arith.constant 13 : i32
      %shift_left3A_52 = vector.broadcast %shift_left3A_51 : i32 to vector<256x512xi32>
      %shift_left3A_53 = arith.shli %and3A_50, %shift_left3A_52 : vector<256x512xi32>
      %or3A = arith.ori %shift_left3A_47, %shift_left3A_53 : vector<256x512xi32>
      %bitcast3A = tpu.bitcast %or3A : vector<256x512xi32> -> vector<256x512xf32>
      %mul3A_54 = arith.constant 5.19229686E+33 : f32
      %mul3A_55 = vector.broadcast %mul3A_54 : f32 to vector<256x512xf32>
      %mul3A_56 = arith.mulf %bitcast3A, %mul3A_55 : vector<256x512xf32>
      %shift_right_arithmetic3A = arith.constant 16 : i32
      %shift_right_arithmetic3A_57 = vector.broadcast %shift_right_arithmetic3A : i32 to vector<256x512xi32>
      %shift_right_arithmetic3A_58 = arith.shrsi %concatenate3A, %shift_right_arithmetic3A_57 : vector<256x512xi32>
      %and3A_59 = arith.constant 65535 : i32
      %and3A_60 = vector.broadcast %and3A_59 : i32 to vector<256x512xi32>
      %and3A_61 = arith.andi %shift_right_arithmetic3A_58, %and3A_60 : vector<256x512xi32>
      %and3A_62 = arith.constant 32768 : i32
      %and3A_63 = vector.broadcast %and3A_62 : i32 to vector<256x512xi32>
      %and3A_64 = arith.andi %and3A_61, %and3A_63 : vector<256x512xi32>
      %shift_left3A_65 = arith.constant 16 : i32
      %shift_left3A_66 = vector.broadcast %shift_left3A_65 : i32 to vector<256x512xi32>
      %shift_left3A_67 = arith.shli %and3A_64, %shift_left3A_66 : vector<256x512xi32>
      %and3A_68 = arith.constant 32767 : i32
      %and3A_69 = vector.broadcast %and3A_68 : i32 to vector<256x512xi32>
      %and3A_70 = arith.andi %and3A_61, %and3A_69 : vector<256x512xi32>
      %shift_left3A_71 = arith.constant 13 : i32
      %shift_left3A_72 = vector.broadcast %shift_left3A_71 : i32 to vector<256x512xi32>
      %shift_left3A_73 = arith.shli %and3A_70, %shift_left3A_72 : vector<256x512xi32>
      %or3A_74 = arith.ori %shift_left3A_67, %shift_left3A_73 : vector<256x512xi32>
      %bitcast3A_75 = tpu.bitcast %or3A_74 : vector<256x512xi32> -> vector<256x512xf32>
      %mul3A_76 = arith.constant 5.19229686E+33 : f32
      %mul3A_77 = vector.broadcast %mul3A_76 : f32 to vector<256x512xf32>
      %mul3A_78 = arith.mulf %bitcast3A_75, %mul3A_77 : vector<256x512xf32>
      %dot_general3A = arith.constant dense<0.000000e+00> : vector<32x256xf32>
      %dot_general3A_79 = tpu.matmul %get3A_16, %mul3A_56, %dot_general3A {dimension_numbers = #tpu.dot_dimension_numbers<[1], [1], [0], [0], [0, 0, 1, 0], [], []>, transpose_lhs_hint = false} : vector<32x512xf32>, vector<256x512xf32>, vector<32x256xf32> -> vector<32x256xf32>
      %mul3A_80 = arith.constant 0.0883883461 : f32
      %mul3A_81 = vector.broadcast %mul3A_80 : f32 to vector<32x256xf32>
      %mul3A_82 = arith.mulf %dot_general3A_79, %mul3A_81 : vector<32x256xf32>
      %dot_general3A_83 = arith.constant dense<0.000000e+00> : vector<32x256xf32>
      %dot_general3A_84 = tpu.matmul %get3A_16, %mul3A_78, %dot_general3A_83 {dimension_numbers = #tpu.dot_dimension_numbers<[1], [1], [0], [0], [0, 0, 1, 0], [], []>, transpose_lhs_hint = false} : vector<32x512xf32>, vector<256x512xf32>, vector<32x256xf32> -> vector<32x256xf32>
      %mul3A_85 = arith.constant 0.0883883461 : f32
      %mul3A_86 = vector.broadcast %mul3A_85 : f32 to vector<32x256xf32>
      %mul3A_87 = arith.mulf %dot_general3A_84, %mul3A_86 : vector<32x256xf32>
      %iota3A = tpu.iota {dimensions = array<i32: 1>} : vector<32x256xi32>
      %jit3A = arith.constant 32 : i32
      %div3A = vector.broadcast %jit3A : i32 to vector<32x256xi32>
      %div3A_88 = arith.divsi %iota3A, %div3A : vector<32x256xi32>
      %sign3A = arith.constant 0 : i32
      %sign3A_89 = vector.broadcast %sign3A : i32 to vector<32x256xi32>
      %sign3A_90 = arith.cmpi sgt, %iota3A, %sign3A_89 : vector<32x256xi32>
      %sign3A_91 = arith.extui %sign3A_90 : vector<32x256xi1> to vector<32x256xi32>
      %sign3A_92 = arith.constant 0 : i32
      %sign3A_93 = vector.broadcast %sign3A_92 : i32 to vector<32x256xi32>
      %sign3A_94 = arith.cmpi slt, %iota3A, %sign3A_93 : vector<32x256xi32>
      %sign3A_95 = arith.extui %sign3A_94 : vector<32x256xi1> to vector<32x256xi32>
      %sign3A_96 = arith.subi %sign3A_91, %sign3A_95 : vector<32x256xi32>
      %sign3A_97 = arith.constant 0 : i32
      %sign3A_98 = arith.cmpi sgt, %jit3A, %sign3A_97 : i32
      %sign3A_99 = arith.extui %sign3A_98 : i1 to i32
      %sign3A_100 = arith.constant 0 : i32
      %sign3A_101 = arith.cmpi slt, %jit3A, %sign3A_100 : i32
      %sign3A_102 = arith.extui %sign3A_101 : i1 to i32
      %sign3A_103 = arith.subi %sign3A_99, %sign3A_102 : i32
      %ne3A = vector.broadcast %sign3A_103 : i32 to vector<32x256xi32>
      %ne3A_104 = arith.cmpi ne, %sign3A_96, %ne3A : vector<32x256xi32>
      %rem3A = vector.broadcast %jit3A : i32 to vector<32x256xi32>
      %rem3A_105 = arith.remsi %iota3A, %rem3A : vector<32x256xi32>
      %ne3A_106 = arith.constant 0 : i32
      %ne3A_107 = vector.broadcast %ne3A_106 : i32 to vector<32x256xi32>
      %ne3A_108 = arith.cmpi ne, %rem3A_105, %ne3A_107 : vector<32x256xi32>
      %and3A_109 = arith.andi %ne3A_104, %ne3A_108 : vector<32x256xi1>
      %sub3A = arith.constant 1 : i32
      %sub3A_110 = vector.broadcast %sub3A : i32 to vector<32x256xi32>
      %sub3A_111 = arith.subi %div3A_88, %sub3A_110 : vector<32x256xi32>
      %select_n3A = arith.select %and3A_109, %sub3A_111, %div3A_88 : vector<32x256xi1>, vector<32x256xi32>
      %get3A_112 = arith.index_cast %arg0 : i32 to index
      %get3A_113 = memref.load %arg5[%get3A_112] : memref<32xi32, #tpu.memory_space<smem>>
      %get3A_114 = arith.index_cast %arg0 : i32 to index
      %get3A_115 = memref.load %arg3[%get3A_114] : memref<32xi32, #tpu.memory_space<smem>>
      %iota3A_116 = tpu.iota {dimensions = array<i32: 0>} : vector<32x256xi32>
      %jit3A_117 = arith.constant 8 : i32
      %div3A_118 = vector.broadcast %jit3A_117 : i32 to vector<32x256xi32>
      %div3A_119 = arith.divsi %iota3A_116, %div3A_118 : vector<32x256xi32>
      %sign3A_120 = arith.constant 0 : i32
      %sign3A_121 = vector.broadcast %sign3A_120 : i32 to vector<32x256xi32>
      %sign3A_122 = arith.cmpi sgt, %iota3A_116, %sign3A_121 : vector<32x256xi32>
      %sign3A_123 = arith.extui %sign3A_122 : vector<32x256xi1> to vector<32x256xi32>
      %sign3A_124 = arith.constant 0 : i32
      %sign3A_125 = vector.broadcast %sign3A_124 : i32 to vector<32x256xi32>
      %sign3A_126 = arith.cmpi slt, %iota3A_116, %sign3A_125 : vector<32x256xi32>
      %sign3A_127 = arith.extui %sign3A_126 : vector<32x256xi1> to vector<32x256xi32>
      %sign3A_128 = arith.subi %sign3A_123, %sign3A_127 : vector<32x256xi32>
      %sign3A_129 = arith.constant 0 : i32
      %sign3A_130 = arith.cmpi sgt, %jit3A_117, %sign3A_129 : i32
      %sign3A_131 = arith.extui %sign3A_130 : i1 to i32
      %sign3A_132 = arith.constant 0 : i32
      %sign3A_133 = arith.cmpi slt, %jit3A_117, %sign3A_132 : i32
      %sign3A_134 = arith.extui %sign3A_133 : i1 to i32
      %sign3A_135 = arith.subi %sign3A_131, %sign3A_134 : i32
      %ne3A_136 = vector.broadcast %sign3A_135 : i32 to vector<32x256xi32>
      %ne3A_137 = arith.cmpi ne, %sign3A_128, %ne3A_136 : vector<32x256xi32>
      %rem3A_138 = vector.broadcast %jit3A_117 : i32 to vector<32x256xi32>
      %rem3A_139 = arith.remsi %iota3A_116, %rem3A_138 : vector<32x256xi32>
      %ne3A_140 = arith.constant 0 : i32
      %ne3A_141 = vector.broadcast %ne3A_140 : i32 to vector<32x256xi32>
      %ne3A_142 = arith.cmpi ne, %rem3A_139, %ne3A_141 : vector<32x256xi32>
      %and3A_143 = arith.andi %ne3A_137, %ne3A_142 : vector<32x256xi1>
      %sub3A_144 = arith.constant 1 : i32
      %sub3A_145 = vector.broadcast %sub3A_144 : i32 to vector<32x256xi32>
      %sub3A_146 = arith.subi %div3A_119, %sub3A_145 : vector<32x256xi32>
      %select_n3A_147 = arith.select %and3A_143, %sub3A_146, %div3A_119 : vector<32x256xi1>, vector<32x256xi32>
      %jit3A_148 = arith.constant 32 : i32
      %eq3A_149 = arith.constant 0 : i32
      %eq3A_150 = arith.cmpi eq, %jit3A_148, %eq3A_149 : i32
      %jit3A_151 = arith.constant 1 : i32
      %select_n3A_152 = arith.select %eq3A_150, %jit3A_151, %jit3A_148 : i32
      %rem3A_153 = vector.broadcast %select_n3A_152 : i32 to vector<32x256xi32>
      %rem3A_154 = arith.remsi %iota3A, %rem3A_153 : vector<32x256xi32>
      %ne3A_155 = arith.constant 0 : i32
      %ne3A_156 = vector.broadcast %ne3A_155 : i32 to vector<32x256xi32>
      %ne3A_157 = arith.cmpi ne, %rem3A_154, %ne3A_156 : vector<32x256xi32>
      %lt3A_158 = arith.constant 0 : i32
      %lt3A_159 = vector.broadcast %lt3A_158 : i32 to vector<32x256xi32>
      %lt3A_160 = arith.cmpi slt, %rem3A_154, %lt3A_159 : vector<32x256xi32>
      %lt3A_161 = arith.constant 0 : i32
      %lt3A_162 = arith.cmpi slt, %select_n3A_152, %lt3A_161 : i32
      %ne3A_163 = vector.broadcast %lt3A_162 : i1 to vector<32x256xi1>
      %ne3A_164 = vector.broadcast %ne3A_163 : vector<32x256xi1> to vector<32x256xi1>
      %ne3A_165 = arith.xori %lt3A_160, %ne3A_164 : vector<32x256xi1>
      %and3A_166 = arith.andi %ne3A_165, %ne3A_157 : vector<32x256xi1>
      %add3A = vector.broadcast %select_n3A_152 : i32 to vector<32x256xi32>
      %add3A_167 = arith.addi %rem3A_154, %add3A : vector<32x256xi32>
      %select_n3A_168 = arith.select %and3A_166, %add3A_167, %rem3A_154 : vector<32x256xi1>, vector<32x256xi32>
      %mul3A_169 = arith.constant 2 : i32
      %mul3A_170 = vector.broadcast %mul3A_169 : i32 to vector<32x256xi32>
      %mul3A_171 = arith.muli %mul3A_170, %select_n3A_168 : vector<32x256xi32>
      %broadcast_in_dim3A = arith.constant 0.000000e+00 : f32
      %broadcast_in_dim3A_172 = vector.broadcast %broadcast_in_dim3A : f32 to vector<32x256xf32>
      %mul3A_173 = arith.constant 8 : i32
      %mul3A_174 = arith.muli %arg1, %mul3A_173 : i32
      %add3A_175 = arith.constant 0 : i32
      %add3A_176 = arith.addi %mul3A_174, %add3A_175 : i32
      %get3A_177 = arith.index_cast %arg0 : i32 to index
      %get3A_178 = arith.index_cast %add3A_176 : i32 to index
      %get3A_179 = memref.load %arg2[%get3A_177, %get3A_178] : memref<32x64xi32, #tpu.memory_space<smem>>
      %get3A_180 = arith.index_cast %arg0 : i32 to index
      %get3A_181 = arith.index_cast %get3A_179 : i32 to index
      %get3A_182 = memref.load %arg4[%get3A_180, %get3A_181] : memref<32x64xi32, #tpu.memory_space<smem>>
      %lt3A_183 = arith.constant 2 : i32
      %lt3A_184 = vector.broadcast %lt3A_183 : i32 to vector<32x256xi32>
      %lt3A_185 = arith.cmpi slt, %select_n3A_147, %lt3A_184 : vector<32x256xi32>
      %eq3A_186 = arith.constant 0 : i32
      %eq3A_187 = vector.broadcast %eq3A_186 : i32 to vector<32x256xi32>
      %eq3A_188 = arith.cmpi eq, %select_n3A_147, %eq3A_187 : vector<32x256xi32>
      %and3A_189 = arith.constant 255 : i32
      %and3A_190 = arith.andi %get3A_182, %and3A_189 : i32
      %shift_right_arithmetic3A_191 = arith.constant 8 : i32
      %shift_right_arithmetic3A_192 = arith.shrsi %get3A_182, %shift_right_arithmetic3A_191 : i32
      %and3A_193 = arith.constant 255 : i32
      %and3A_194 = arith.andi %shift_right_arithmetic3A_192, %and3A_193 : i32
      %broadcast_in_dim3A_195 = vector.broadcast %and3A_190 : i32 to vector<32x256xi32>
      %broadcast_in_dim3A_196 = vector.broadcast %and3A_194 : i32 to vector<32x256xi32>
      %select_n3A_197 = arith.select %eq3A_188, %broadcast_in_dim3A_195, %broadcast_in_dim3A_196 : vector<32x256xi1>, vector<32x256xi32>
      %eq3A_198 = arith.constant 2 : i32
      %eq3A_199 = vector.broadcast %eq3A_198 : i32 to vector<32x256xi32>
      %eq3A_200 = arith.cmpi eq, %select_n3A_147, %eq3A_199 : vector<32x256xi32>
      %shift_right_arithmetic3A_201 = arith.constant 16 : i32
      %shift_right_arithmetic3A_202 = arith.shrsi %get3A_182, %shift_right_arithmetic3A_201 : i32
      %and3A_203 = arith.constant 255 : i32
      %and3A_204 = arith.andi %shift_right_arithmetic3A_202, %and3A_203 : i32
      %shift_right_arithmetic3A_205 = arith.constant 24 : i32
      %shift_right_arithmetic3A_206 = arith.shrsi %get3A_182, %shift_right_arithmetic3A_205 : i32
      %and3A_207 = arith.constant 255 : i32
      %and3A_208 = arith.andi %shift_right_arithmetic3A_206, %and3A_207 : i32
      %broadcast_in_dim3A_209 = vector.broadcast %and3A_204 : i32 to vector<32x256xi32>
      %broadcast_in_dim3A_210 = vector.broadcast %and3A_208 : i32 to vector<32x256xi32>
      %select_n3A_211 = arith.select %eq3A_200, %broadcast_in_dim3A_209, %broadcast_in_dim3A_210 : vector<32x256xi1>, vector<32x256xi32>
      %select_n3A_212 = arith.select %lt3A_185, %select_n3A_197, %select_n3A_211 : vector<32x256xi1>, vector<32x256xi32>
      %convert_element_type3A_213 = arith.sitofp %select_n3A_212 : vector<32x256xi32> to vector<32x256xf32>
      %eq3A_214 = arith.constant 0 : i32
      %eq3A_215 = vector.broadcast %eq3A_214 : i32 to vector<32x256xi32>
      %eq3A_216 = arith.cmpi eq, %select_n3A, %eq3A_215 : vector<32x256xi32>
      %mul3A_217 = arith.constant 64 : i32
      %mul3A_218 = arith.muli %get3A_179, %mul3A_217 : i32
      %add3A_219 = vector.broadcast %mul3A_218 : i32 to vector<32x256xi32>
      %add3A_220 = arith.addi %mul3A_171, %add3A_219 : vector<32x256xi32>
      %select_n3A_221 = arith.select %eq3A_216, %add3A_220, %mul3A_171 : vector<32x256xi1>, vector<32x256xi32>
      %mul3A_222 = arith.constant 8 : i32
      %mul3A_223 = arith.muli %arg1, %mul3A_222 : i32
      %add3A_224 = arith.constant 0 : i32
      %add3A_225 = arith.addi %mul3A_223, %add3A_224 : i32
      %lt3A_226 = arith.cmpi slt, %add3A_225, %get3A_115 : i32
      %and3A_227 = vector.broadcast %lt3A_226 : i1 to vector<32x256xi1>
      %and3A_228 = arith.andi %eq3A_216, %and3A_227 : vector<32x256xi1>
      %select_n3A_229 = arith.select %and3A_228, %convert_element_type3A_213, %broadcast_in_dim3A_172 : vector<32x256xi1>, vector<32x256xf32>
      %mul3A_230 = arith.constant 8 : i32
      %mul3A_231 = arith.muli %arg1, %mul3A_230 : i32
      %add3A_232 = arith.constant 1 : i32
      %add3A_233 = arith.addi %mul3A_231, %add3A_232 : i32
      %get3A_234 = arith.index_cast %arg0 : i32 to index
      %get3A_235 = arith.index_cast %add3A_233 : i32 to index
      %get3A_236 = memref.load %arg2[%get3A_234, %get3A_235] : memref<32x64xi32, #tpu.memory_space<smem>>
      %get3A_237 = arith.index_cast %arg0 : i32 to index
      %get3A_238 = arith.index_cast %get3A_236 : i32 to index
      %get3A_239 = memref.load %arg4[%get3A_237, %get3A_238] : memref<32x64xi32, #tpu.memory_space<smem>>
      %lt3A_240 = arith.constant 2 : i32
      %lt3A_241 = vector.broadcast %lt3A_240 : i32 to vector<32x256xi32>
      %lt3A_242 = arith.cmpi slt, %select_n3A_147, %lt3A_241 : vector<32x256xi32>
      %eq3A_243 = arith.constant 0 : i32
      %eq3A_244 = vector.broadcast %eq3A_243 : i32 to vector<32x256xi32>
      %eq3A_245 = arith.cmpi eq, %select_n3A_147, %eq3A_244 : vector<32x256xi32>
      %and3A_246 = arith.constant 255 : i32
      %and3A_247 = arith.andi %get3A_239, %and3A_246 : i32
      %shift_right_arithmetic3A_248 = arith.constant 8 : i32
      %shift_right_arithmetic3A_249 = arith.shrsi %get3A_239, %shift_right_arithmetic3A_248 : i32
      %and3A_250 = arith.constant 255 : i32
      %and3A_251 = arith.andi %shift_right_arithmetic3A_249, %and3A_250 : i32
      %broadcast_in_dim3A_252 = vector.broadcast %and3A_247 : i32 to vector<32x256xi32>
      %broadcast_in_dim3A_253 = vector.broadcast %and3A_251 : i32 to vector<32x256xi32>
      %select_n3A_254 = arith.select %eq3A_245, %broadcast_in_dim3A_252, %broadcast_in_dim3A_253 : vector<32x256xi1>, vector<32x256xi32>
      %eq3A_255 = arith.constant 2 : i32
      %eq3A_256 = vector.broadcast %eq3A_255 : i32 to vector<32x256xi32>
      %eq3A_257 = arith.cmpi eq, %select_n3A_147, %eq3A_256 : vector<32x256xi32>
      %shift_right_arithmetic3A_258 = arith.constant 16 : i32
      %shift_right_arithmetic3A_259 = arith.shrsi %get3A_239, %shift_right_arithmetic3A_258 : i32
      %and3A_260 = arith.constant 255 : i32
      %and3A_261 = arith.andi %shift_right_arithmetic3A_259, %and3A_260 : i32
      %shift_right_arithmetic3A_262 = arith.constant 24 : i32
      %shift_right_arithmetic3A_263 = arith.shrsi %get3A_239, %shift_right_arithmetic3A_262 : i32
      %and3A_264 = arith.constant 255 : i32
      %and3A_265 = arith.andi %shift_right_arithmetic3A_263, %and3A_264 : i32
      %broadcast_in_dim3A_266 = vector.broadcast %and3A_261 : i32 to vector<32x256xi32>
      %broadcast_in_dim3A_267 = vector.broadcast %and3A_265 : i32 to vector<32x256xi32>
      %select_n3A_268 = arith.select %eq3A_257, %broadcast_in_dim3A_266, %broadcast_in_dim3A_267 : vector<32x256xi1>, vector<32x256xi32>
      %select_n3A_269 = arith.select %lt3A_242, %select_n3A_254, %select_n3A_268 : vector<32x256xi1>, vector<32x256xi32>
      %convert_element_type3A_270 = arith.sitofp %select_n3A_269 : vector<32x256xi32> to vector<32x256xf32>
      %eq3A_271 = arith.constant 1 : i32
      %eq3A_272 = vector.broadcast %eq3A_271 : i32 to vector<32x256xi32>
      %eq3A_273 = arith.cmpi eq, %select_n3A, %eq3A_272 : vector<32x256xi32>
      %mul3A_274 = arith.constant 64 : i32
      %mul3A_275 = arith.muli %get3A_236, %mul3A_274 : i32
      %add3A_276 = vector.broadcast %mul3A_275 : i32 to vector<32x256xi32>
      %add3A_277 = arith.addi %select_n3A_221, %add3A_276 : vector<32x256xi32>
      %select_n3A_278 = arith.select %eq3A_273, %add3A_277, %select_n3A_221 : vector<32x256xi1>, vector<32x256xi32>
      %mul3A_279 = arith.constant 8 : i32
      %mul3A_280 = arith.muli %arg1, %mul3A_279 : i32
      %add3A_281 = arith.constant 1 : i32
      %add3A_282 = arith.addi %mul3A_280, %add3A_281 : i32
      %lt3A_283 = arith.cmpi slt, %add3A_282, %get3A_115 : i32
      %and3A_284 = vector.broadcast %lt3A_283 : i1 to vector<32x256xi1>
      %and3A_285 = arith.andi %eq3A_273, %and3A_284 : vector<32x256xi1>
      %select_n3A_286 = arith.select %and3A_285, %convert_element_type3A_270, %select_n3A_229 : vector<32x256xi1>, vector<32x256xf32>
      %mul3A_287 = arith.constant 8 : i32
      %mul3A_288 = arith.muli %arg1, %mul3A_287 : i32
      %add3A_289 = arith.constant 2 : i32
      %add3A_290 = arith.addi %mul3A_288, %add3A_289 : i32
      %get3A_291 = arith.index_cast %arg0 : i32 to index
      %get3A_292 = arith.index_cast %add3A_290 : i32 to index
      %get3A_293 = memref.load %arg2[%get3A_291, %get3A_292] : memref<32x64xi32, #tpu.memory_space<smem>>
      %get3A_294 = arith.index_cast %arg0 : i32 to index
      %get3A_295 = arith.index_cast %get3A_293 : i32 to index
      %get3A_296 = memref.load %arg4[%get3A_294, %get3A_295] : memref<32x64xi32, #tpu.memory_space<smem>>
      %lt3A_297 = arith.constant 2 : i32
      %lt3A_298 = vector.broadcast %lt3A_297 : i32 to vector<32x256xi32>
      %lt3A_299 = arith.cmpi slt, %select_n3A_147, %lt3A_298 : vector<32x256xi32>
      %eq3A_300 = arith.constant 0 : i32
      %eq3A_301 = vector.broadcast %eq3A_300 : i32 to vector<32x256xi32>
      %eq3A_302 = arith.cmpi eq, %select_n3A_147, %eq3A_301 : vector<32x256xi32>
      %and3A_303 = arith.constant 255 : i32
      %and3A_304 = arith.andi %get3A_296, %and3A_303 : i32
      %shift_right_arithmetic3A_305 = arith.constant 8 : i32
      %shift_right_arithmetic3A_306 = arith.shrsi %get3A_296, %shift_right_arithmetic3A_305 : i32
      %and3A_307 = arith.constant 255 : i32
      %and3A_308 = arith.andi %shift_right_arithmetic3A_306, %and3A_307 : i32
      %broadcast_in_dim3A_309 = vector.broadcast %and3A_304 : i32 to vector<32x256xi32>
      %broadcast_in_dim3A_310 = vector.broadcast %and3A_308 : i32 to vector<32x256xi32>
      %select_n3A_311 = arith.select %eq3A_302, %broadcast_in_dim3A_309, %broadcast_in_dim3A_310 : vector<32x256xi1>, vector<32x256xi32>
      %eq3A_312 = arith.constant 2 : i32
      %eq3A_313 = vector.broadcast %eq3A_312 : i32 to vector<32x256xi32>
      %eq3A_314 = arith.cmpi eq, %select_n3A_147, %eq3A_313 : vector<32x256xi32>
      %shift_right_arithmetic3A_315 = arith.constant 16 : i32
      %shift_right_arithmetic3A_316 = arith.shrsi %get3A_296, %shift_right_arithmetic3A_315 : i32
      %and3A_317 = arith.constant 255 : i32
      %and3A_318 = arith.andi %shift_right_arithmetic3A_316, %and3A_317 : i32
      %shift_right_arithmetic3A_319 = arith.constant 24 : i32
      %shift_right_arithmetic3A_320 = arith.shrsi %get3A_296, %shift_right_arithmetic3A_319 : i32
      %and3A_321 = arith.constant 255 : i32
      %and3A_322 = arith.andi %shift_right_arithmetic3A_320, %and3A_321 : i32
      %broadcast_in_dim3A_323 = vector.broadcast %and3A_318 : i32 to vector<32x256xi32>
      %broadcast_in_dim3A_324 = vector.broadcast %and3A_322 : i32 to vector<32x256xi32>
      %select_n3A_325 = arith.select %eq3A_314, %broadcast_in_dim3A_323, %broadcast_in_dim3A_324 : vector<32x256xi1>, vector<32x256xi32>
      %select_n3A_326 = arith.select %lt3A_299, %select_n3A_311, %select_n3A_325 : vector<32x256xi1>, vector<32x256xi32>
      %convert_element_type3A_327 = arith.sitofp %select_n3A_326 : vector<32x256xi32> to vector<32x256xf32>
      %eq3A_328 = arith.constant 2 : i32
      %eq3A_329 = vector.broadcast %eq3A_328 : i32 to vector<32x256xi32>
      %eq3A_330 = arith.cmpi eq, %select_n3A, %eq3A_329 : vector<32x256xi32>
      %mul3A_331 = arith.constant 64 : i32
      %mul3A_332 = arith.muli %get3A_293, %mul3A_331 : i32
      %add3A_333 = vector.broadcast %mul3A_332 : i32 to vector<32x256xi32>
      %add3A_334 = arith.addi %select_n3A_278, %add3A_333 : vector<32x256xi32>
      %select_n3A_335 = arith.select %eq3A_330, %add3A_334, %select_n3A_278 : vector<32x256xi1>, vector<32x256xi32>
      %mul3A_336 = arith.constant 8 : i32
      %mul3A_337 = arith.muli %arg1, %mul3A_336 : i32
      %add3A_338 = arith.constant 2 : i32
      %add3A_339 = arith.addi %mul3A_337, %add3A_338 : i32
      %lt3A_340 = arith.cmpi slt, %add3A_339, %get3A_115 : i32
      %and3A_341 = vector.broadcast %lt3A_340 : i1 to vector<32x256xi1>
      %and3A_342 = arith.andi %eq3A_330, %and3A_341 : vector<32x256xi1>
      %select_n3A_343 = arith.select %and3A_342, %convert_element_type3A_327, %select_n3A_286 : vector<32x256xi1>, vector<32x256xf32>
      %mul3A_344 = arith.constant 8 : i32
      %mul3A_345 = arith.muli %arg1, %mul3A_344 : i32
      %add3A_346 = arith.constant 3 : i32
      %add3A_347 = arith.addi %mul3A_345, %add3A_346 : i32
      %get3A_348 = arith.index_cast %arg0 : i32 to index
      %get3A_349 = arith.index_cast %add3A_347 : i32 to index
      %get3A_350 = memref.load %arg2[%get3A_348, %get3A_349] : memref<32x64xi32, #tpu.memory_space<smem>>
      %get3A_351 = arith.index_cast %arg0 : i32 to index
      %get3A_352 = arith.index_cast %get3A_350 : i32 to index
      %get3A_353 = memref.load %arg4[%get3A_351, %get3A_352] : memref<32x64xi32, #tpu.memory_space<smem>>
      %lt3A_354 = arith.constant 2 : i32
      %lt3A_355 = vector.broadcast %lt3A_354 : i32 to vector<32x256xi32>
      %lt3A_356 = arith.cmpi slt, %select_n3A_147, %lt3A_355 : vector<32x256xi32>
      %eq3A_357 = arith.constant 0 : i32
      %eq3A_358 = vector.broadcast %eq3A_357 : i32 to vector<32x256xi32>
      %eq3A_359 = arith.cmpi eq, %select_n3A_147, %eq3A_358 : vector<32x256xi32>
      %and3A_360 = arith.constant 255 : i32
      %and3A_361 = arith.andi %get3A_353, %and3A_360 : i32
      %shift_right_arithmetic3A_362 = arith.constant 8 : i32
      %shift_right_arithmetic3A_363 = arith.shrsi %get3A_353, %shift_right_arithmetic3A_362 : i32
      %and3A_364 = arith.constant 255 : i32
      %and3A_365 = arith.andi %shift_right_arithmetic3A_363, %and3A_364 : i32
      %broadcast_in_dim3A_366 = vector.broadcast %and3A_361 : i32 to vector<32x256xi32>
      %broadcast_in_dim3A_367 = vector.broadcast %and3A_365 : i32 to vector<32x256xi32>
      %select_n3A_368 = arith.select %eq3A_359, %broadcast_in_dim3A_366, %broadcast_in_dim3A_367 : vector<32x256xi1>, vector<32x256xi32>
      %eq3A_369 = arith.constant 2 : i32
      %eq3A_370 = vector.broadcast %eq3A_369 : i32 to vector<32x256xi32>
      %eq3A_371 = arith.cmpi eq, %select_n3A_147, %eq3A_370 : vector<32x256xi32>
      %shift_right_arithmetic3A_372 = arith.constant 16 : i32
      %shift_right_arithmetic3A_373 = arith.shrsi %get3A_353, %shift_right_arithmetic3A_372 : i32
      %and3A_374 = arith.constant 255 : i32
      %and3A_375 = arith.andi %shift_right_arithmetic3A_373, %and3A_374 : i32
      %shift_right_arithmetic3A_376 = arith.constant 24 : i32
      %shift_right_arithmetic3A_377 = arith.shrsi %get3A_353, %shift_right_arithmetic3A_376 : i32
      %and3A_378 = arith.constant 255 : i32
      %and3A_379 = arith.andi %shift_right_arithmetic3A_377, %and3A_378 : i32
      %broadcast_in_dim3A_380 = vector.broadcast %and3A_375 : i32 to vector<32x256xi32>
      %broadcast_in_dim3A_381 = vector.broadcast %and3A_379 : i32 to vector<32x256xi32>
      %select_n3A_382 = arith.select %eq3A_371, %broadcast_in_dim3A_380, %broadcast_in_dim3A_381 : vector<32x256xi1>, vector<32x256xi32>
      %select_n3A_383 = arith.select %lt3A_356, %select_n3A_368, %select_n3A_382 : vector<32x256xi1>, vector<32x256xi32>
      %convert_element_type3A_384 = arith.sitofp %select_n3A_383 : vector<32x256xi32> to vector<32x256xf32>
      %eq3A_385 = arith.constant 3 : i32
      %eq3A_386 = vector.broadcast %eq3A_385 : i32 to vector<32x256xi32>
      %eq3A_387 = arith.cmpi eq, %select_n3A, %eq3A_386 : vector<32x256xi32>
      %mul3A_388 = arith.constant 64 : i32
      %mul3A_389 = arith.muli %get3A_350, %mul3A_388 : i32
      %add3A_390 = vector.broadcast %mul3A_389 : i32 to vector<32x256xi32>
      %add3A_391 = arith.addi %select_n3A_335, %add3A_390 : vector<32x256xi32>
      %select_n3A_392 = arith.select %eq3A_387, %add3A_391, %select_n3A_335 : vector<32x256xi1>, vector<32x256xi32>
      %mul3A_393 = arith.constant 8 : i32
      %mul3A_394 = arith.muli %arg1, %mul3A_393 : i32
      %add3A_395 = arith.constant 3 : i32
      %add3A_396 = arith.addi %mul3A_394, %add3A_395 : i32
      %lt3A_397 = arith.cmpi slt, %add3A_396, %get3A_115 : i32
      %and3A_398 = vector.broadcast %lt3A_397 : i1 to vector<32x256xi1>
      %and3A_399 = arith.andi %eq3A_387, %and3A_398 : vector<32x256xi1>
      %select_n3A_400 = arith.select %and3A_399, %convert_element_type3A_384, %select_n3A_343 : vector<32x256xi1>, vector<32x256xf32>
      %mul3A_401 = arith.constant 8 : i32
      %mul3A_402 = arith.muli %arg1, %mul3A_401 : i32
      %add3A_403 = arith.constant 4 : i32
      %add3A_404 = arith.addi %mul3A_402, %add3A_403 : i32
      %get3A_405 = arith.index_cast %arg0 : i32 to index
      %get3A_406 = arith.index_cast %add3A_404 : i32 to index
      %get3A_407 = memref.load %arg2[%get3A_405, %get3A_406] : memref<32x64xi32, #tpu.memory_space<smem>>
      %get3A_408 = arith.index_cast %arg0 : i32 to index
      %get3A_409 = arith.index_cast %get3A_407 : i32 to index
      %get3A_410 = memref.load %arg4[%get3A_408, %get3A_409] : memref<32x64xi32, #tpu.memory_space<smem>>
      %lt3A_411 = arith.constant 2 : i32
      %lt3A_412 = vector.broadcast %lt3A_411 : i32 to vector<32x256xi32>
      %lt3A_413 = arith.cmpi slt, %select_n3A_147, %lt3A_412 : vector<32x256xi32>
      %eq3A_414 = arith.constant 0 : i32
      %eq3A_415 = vector.broadcast %eq3A_414 : i32 to vector<32x256xi32>
      %eq3A_416 = arith.cmpi eq, %select_n3A_147, %eq3A_415 : vector<32x256xi32>
      %and3A_417 = arith.constant 255 : i32
      %and3A_418 = arith.andi %get3A_410, %and3A_417 : i32
      %shift_right_arithmetic3A_419 = arith.constant 8 : i32
      %shift_right_arithmetic3A_420 = arith.shrsi %get3A_410, %shift_right_arithmetic3A_419 : i32
      %and3A_421 = arith.constant 255 : i32
      %and3A_422 = arith.andi %shift_right_arithmetic3A_420, %and3A_421 : i32
      %broadcast_in_dim3A_423 = vector.broadcast %and3A_418 : i32 to vector<32x256xi32>
      %broadcast_in_dim3A_424 = vector.broadcast %and3A_422 : i32 to vector<32x256xi32>
      %select_n3A_425 = arith.select %eq3A_416, %broadcast_in_dim3A_423, %broadcast_in_dim3A_424 : vector<32x256xi1>, vector<32x256xi32>
      %eq3A_426 = arith.constant 2 : i32
      %eq3A_427 = vector.broadcast %eq3A_426 : i32 to vector<32x256xi32>
      %eq3A_428 = arith.cmpi eq, %select_n3A_147, %eq3A_427 : vector<32x256xi32>
      %shift_right_arithmetic3A_429 = arith.constant 16 : i32
      %shift_right_arithmetic3A_430 = arith.shrsi %get3A_410, %shift_right_arithmetic3A_429 : i32
      %and3A_431 = arith.constant 255 : i32
      %and3A_432 = arith.andi %shift_right_arithmetic3A_430, %and3A_431 : i32
      %shift_right_arithmetic3A_433 = arith.constant 24 : i32
      %shift_right_arithmetic3A_434 = arith.shrsi %get3A_410, %shift_right_arithmetic3A_433 : i32
      %and3A_435 = arith.constant 255 : i32
      %and3A_436 = arith.andi %shift_right_arithmetic3A_434, %and3A_435 : i32
      %broadcast_in_dim3A_437 = vector.broadcast %and3A_432 : i32 to vector<32x256xi32>
      %broadcast_in_dim3A_438 = vector.broadcast %and3A_436 : i32 to vector<32x256xi32>
      %select_n3A_439 = arith.select %eq3A_428, %broadcast_in_dim3A_437, %broadcast_in_dim3A_438 : vector<32x256xi1>, vector<32x256xi32>
      %select_n3A_440 = arith.select %lt3A_413, %select_n3A_425, %select_n3A_439 : vector<32x256xi1>, vector<32x256xi32>
      %convert_element_type3A_441 = arith.sitofp %select_n3A_440 : vector<32x256xi32> to vector<32x256xf32>
      %eq3A_442 = arith.constant 4 : i32
      %eq3A_443 = vector.broadcast %eq3A_442 : i32 to vector<32x256xi32>
      %eq3A_444 = arith.cmpi eq, %select_n3A, %eq3A_443 : vector<32x256xi32>
      %mul3A_445 = arith.constant 64 : i32
      %mul3A_446 = arith.muli %get3A_407, %mul3A_445 : i32
      %add3A_447 = vector.broadcast %mul3A_446 : i32 to vector<32x256xi32>
      %add3A_448 = arith.addi %select_n3A_392, %add3A_447 : vector<32x256xi32>
      %select_n3A_449 = arith.select %eq3A_444, %add3A_448, %select_n3A_392 : vector<32x256xi1>, vector<32x256xi32>
      %mul3A_450 = arith.constant 8 : i32
      %mul3A_451 = arith.muli %arg1, %mul3A_450 : i32
      %add3A_452 = arith.constant 4 : i32
      %add3A_453 = arith.addi %mul3A_451, %add3A_452 : i32
      %lt3A_454 = arith.cmpi slt, %add3A_453, %get3A_115 : i32
      %and3A_455 = vector.broadcast %lt3A_454 : i1 to vector<32x256xi1>
      %and3A_456 = arith.andi %eq3A_444, %and3A_455 : vector<32x256xi1>
      %select_n3A_457 = arith.select %and3A_456, %convert_element_type3A_441, %select_n3A_400 : vector<32x256xi1>, vector<32x256xf32>
      %mul3A_458 = arith.constant 8 : i32
      %mul3A_459 = arith.muli %arg1, %mul3A_458 : i32
      %add3A_460 = arith.constant 5 : i32
      %add3A_461 = arith.addi %mul3A_459, %add3A_460 : i32
      %get3A_462 = arith.index_cast %arg0 : i32 to index
      %get3A_463 = arith.index_cast %add3A_461 : i32 to index
      %get3A_464 = memref.load %arg2[%get3A_462, %get3A_463] : memref<32x64xi32, #tpu.memory_space<smem>>
      %get3A_465 = arith.index_cast %arg0 : i32 to index
      %get3A_466 = arith.index_cast %get3A_464 : i32 to index
      %get3A_467 = memref.load %arg4[%get3A_465, %get3A_466] : memref<32x64xi32, #tpu.memory_space<smem>>
      %lt3A_468 = arith.constant 2 : i32
      %lt3A_469 = vector.broadcast %lt3A_468 : i32 to vector<32x256xi32>
      %lt3A_470 = arith.cmpi slt, %select_n3A_147, %lt3A_469 : vector<32x256xi32>
      %eq3A_471 = arith.constant 0 : i32
      %eq3A_472 = vector.broadcast %eq3A_471 : i32 to vector<32x256xi32>
      %eq3A_473 = arith.cmpi eq, %select_n3A_147, %eq3A_472 : vector<32x256xi32>
      %and3A_474 = arith.constant 255 : i32
      %and3A_475 = arith.andi %get3A_467, %and3A_474 : i32
      %shift_right_arithmetic3A_476 = arith.constant 8 : i32
      %shift_right_arithmetic3A_477 = arith.shrsi %get3A_467, %shift_right_arithmetic3A_476 : i32
      %and3A_478 = arith.constant 255 : i32
      %and3A_479 = arith.andi %shift_right_arithmetic3A_477, %and3A_478 : i32
      %broadcast_in_dim3A_480 = vector.broadcast %and3A_475 : i32 to vector<32x256xi32>
      %broadcast_in_dim3A_481 = vector.broadcast %and3A_479 : i32 to vector<32x256xi32>
      %select_n3A_482 = arith.select %eq3A_473, %broadcast_in_dim3A_480, %broadcast_in_dim3A_481 : vector<32x256xi1>, vector<32x256xi32>
      %eq3A_483 = arith.constant 2 : i32
      %eq3A_484 = vector.broadcast %eq3A_483 : i32 to vector<32x256xi32>
      %eq3A_485 = arith.cmpi eq, %select_n3A_147, %eq3A_484 : vector<32x256xi32>
      %shift_right_arithmetic3A_486 = arith.constant 16 : i32
      %shift_right_arithmetic3A_487 = arith.shrsi %get3A_467, %shift_right_arithmetic3A_486 : i32
      %and3A_488 = arith.constant 255 : i32
      %and3A_489 = arith.andi %shift_right_arithmetic3A_487, %and3A_488 : i32
      %shift_right_arithmetic3A_490 = arith.constant 24 : i32
      %shift_right_arithmetic3A_491 = arith.shrsi %get3A_467, %shift_right_arithmetic3A_490 : i32
      %and3A_492 = arith.constant 255 : i32
      %and3A_493 = arith.andi %shift_right_arithmetic3A_491, %and3A_492 : i32
      %broadcast_in_dim3A_494 = vector.broadcast %and3A_489 : i32 to vector<32x256xi32>
      %broadcast_in_dim3A_495 = vector.broadcast %and3A_493 : i32 to vector<32x256xi32>
      %select_n3A_496 = arith.select %eq3A_485, %broadcast_in_dim3A_494, %broadcast_in_dim3A_495 : vector<32x256xi1>, vector<32x256xi32>
      %select_n3A_497 = arith.select %lt3A_470, %select_n3A_482, %select_n3A_496 : vector<32x256xi1>, vector<32x256xi32>
      %convert_element_type3A_498 = arith.sitofp %select_n3A_497 : vector<32x256xi32> to vector<32x256xf32>
      %eq3A_499 = arith.constant 5 : i32
      %eq3A_500 = vector.broadcast %eq3A_499 : i32 to vector<32x256xi32>
      %eq3A_501 = arith.cmpi eq, %select_n3A, %eq3A_500 : vector<32x256xi32>
      %mul3A_502 = arith.constant 64 : i32
      %mul3A_503 = arith.muli %get3A_464, %mul3A_502 : i32
      %add3A_504 = vector.broadcast %mul3A_503 : i32 to vector<32x256xi32>
      %add3A_505 = arith.addi %select_n3A_449, %add3A_504 : vector<32x256xi32>
      %select_n3A_506 = arith.select %eq3A_501, %add3A_505, %select_n3A_449 : vector<32x256xi1>, vector<32x256xi32>
      %mul3A_507 = arith.constant 8 : i32
      %mul3A_508 = arith.muli %arg1, %mul3A_507 : i32
      %add3A_509 = arith.constant 5 : i32
      %add3A_510 = arith.addi %mul3A_508, %add3A_509 : i32
      %lt3A_511 = arith.cmpi slt, %add3A_510, %get3A_115 : i32
      %and3A_512 = vector.broadcast %lt3A_511 : i1 to vector<32x256xi1>
      %and3A_513 = arith.andi %eq3A_501, %and3A_512 : vector<32x256xi1>
      %select_n3A_514 = arith.select %and3A_513, %convert_element_type3A_498, %select_n3A_457 : vector<32x256xi1>, vector<32x256xf32>
      %mul3A_515 = arith.constant 8 : i32
      %mul3A_516 = arith.muli %arg1, %mul3A_515 : i32
      %add3A_517 = arith.constant 6 : i32
      %add3A_518 = arith.addi %mul3A_516, %add3A_517 : i32
      %get3A_519 = arith.index_cast %arg0 : i32 to index
      %get3A_520 = arith.index_cast %add3A_518 : i32 to index
      %get3A_521 = memref.load %arg2[%get3A_519, %get3A_520] : memref<32x64xi32, #tpu.memory_space<smem>>
      %get3A_522 = arith.index_cast %arg0 : i32 to index
      %get3A_523 = arith.index_cast %get3A_521 : i32 to index
      %get3A_524 = memref.load %arg4[%get3A_522, %get3A_523] : memref<32x64xi32, #tpu.memory_space<smem>>
      %lt3A_525 = arith.constant 2 : i32
      %lt3A_526 = vector.broadcast %lt3A_525 : i32 to vector<32x256xi32>
      %lt3A_527 = arith.cmpi slt, %select_n3A_147, %lt3A_526 : vector<32x256xi32>
      %eq3A_528 = arith.constant 0 : i32
      %eq3A_529 = vector.broadcast %eq3A_528 : i32 to vector<32x256xi32>
      %eq3A_530 = arith.cmpi eq, %select_n3A_147, %eq3A_529 : vector<32x256xi32>
      %and3A_531 = arith.constant 255 : i32
      %and3A_532 = arith.andi %get3A_524, %and3A_531 : i32
      %shift_right_arithmetic3A_533 = arith.constant 8 : i32
      %shift_right_arithmetic3A_534 = arith.shrsi %get3A_524, %shift_right_arithmetic3A_533 : i32
      %and3A_535 = arith.constant 255 : i32
      %and3A_536 = arith.andi %shift_right_arithmetic3A_534, %and3A_535 : i32
      %broadcast_in_dim3A_537 = vector.broadcast %and3A_532 : i32 to vector<32x256xi32>
      %broadcast_in_dim3A_538 = vector.broadcast %and3A_536 : i32 to vector<32x256xi32>
      %select_n3A_539 = arith.select %eq3A_530, %broadcast_in_dim3A_537, %broadcast_in_dim3A_538 : vector<32x256xi1>, vector<32x256xi32>
      %eq3A_540 = arith.constant 2 : i32
      %eq3A_541 = vector.broadcast %eq3A_540 : i32 to vector<32x256xi32>
      %eq3A_542 = arith.cmpi eq, %select_n3A_147, %eq3A_541 : vector<32x256xi32>
      %shift_right_arithmetic3A_543 = arith.constant 16 : i32
      %shift_right_arithmetic3A_544 = arith.shrsi %get3A_524, %shift_right_arithmetic3A_543 : i32
      %and3A_545 = arith.constant 255 : i32
      %and3A_546 = arith.andi %shift_right_arithmetic3A_544, %and3A_545 : i32
      %shift_right_arithmetic3A_547 = arith.constant 24 : i32
      %shift_right_arithmetic3A_548 = arith.shrsi %get3A_524, %shift_right_arithmetic3A_547 : i32
      %and3A_549 = arith.constant 255 : i32
      %and3A_550 = arith.andi %shift_right_arithmetic3A_548, %and3A_549 : i32
      %broadcast_in_dim3A_551 = vector.broadcast %and3A_546 : i32 to vector<32x256xi32>
      %broadcast_in_dim3A_552 = vector.broadcast %and3A_550 : i32 to vector<32x256xi32>
      %select_n3A_553 = arith.select %eq3A_542, %broadcast_in_dim3A_551, %broadcast_in_dim3A_552 : vector<32x256xi1>, vector<32x256xi32>
      %select_n3A_554 = arith.select %lt3A_527, %select_n3A_539, %select_n3A_553 : vector<32x256xi1>, vector<32x256xi32>
      %convert_element_type3A_555 = arith.sitofp %select_n3A_554 : vector<32x256xi32> to vector<32x256xf32>
      %eq3A_556 = arith.constant 6 : i32
      %eq3A_557 = vector.broadcast %eq3A_556 : i32 to vector<32x256xi32>
      %eq3A_558 = arith.cmpi eq, %select_n3A, %eq3A_557 : vector<32x256xi32>
      %mul3A_559 = arith.constant 64 : i32
      %mul3A_560 = arith.muli %get3A_521, %mul3A_559 : i32
      %add3A_561 = vector.broadcast %mul3A_560 : i32 to vector<32x256xi32>
      %add3A_562 = arith.addi %select_n3A_506, %add3A_561 : vector<32x256xi32>
      %select_n3A_563 = arith.select %eq3A_558, %add3A_562, %select_n3A_506 : vector<32x256xi1>, vector<32x256xi32>
      %mul3A_564 = arith.constant 8 : i32
      %mul3A_565 = arith.muli %arg1, %mul3A_564 : i32
      %add3A_566 = arith.constant 6 : i32
      %add3A_567 = arith.addi %mul3A_565, %add3A_566 : i32
      %lt3A_568 = arith.cmpi slt, %add3A_567, %get3A_115 : i32
      %and3A_569 = vector.broadcast %lt3A_568 : i1 to vector<32x256xi1>
      %and3A_570 = arith.andi %eq3A_558, %and3A_569 : vector<32x256xi1>
      %select_n3A_571 = arith.select %and3A_570, %convert_element_type3A_555, %select_n3A_514 : vector<32x256xi1>, vector<32x256xf32>
      %mul3A_572 = arith.constant 8 : i32
      %mul3A_573 = arith.muli %arg1, %mul3A_572 : i32
      %add3A_574 = arith.constant 7 : i32
      %add3A_575 = arith.addi %mul3A_573, %add3A_574 : i32
      %get3A_576 = arith.index_cast %arg0 : i32 to index
      %get3A_577 = arith.index_cast %add3A_575 : i32 to index
      %get3A_578 = memref.load %arg2[%get3A_576, %get3A_577] : memref<32x64xi32, #tpu.memory_space<smem>>
      %get3A_579 = arith.index_cast %arg0 : i32 to index
      %get3A_580 = arith.index_cast %get3A_578 : i32 to index
      %get3A_581 = memref.load %arg4[%get3A_579, %get3A_580] : memref<32x64xi32, #tpu.memory_space<smem>>
      %lt3A_582 = arith.constant 2 : i32
      %lt3A_583 = vector.broadcast %lt3A_582 : i32 to vector<32x256xi32>
      %lt3A_584 = arith.cmpi slt, %select_n3A_147, %lt3A_583 : vector<32x256xi32>
      %eq3A_585 = arith.constant 0 : i32
      %eq3A_586 = vector.broadcast %eq3A_585 : i32 to vector<32x256xi32>
      %eq3A_587 = arith.cmpi eq, %select_n3A_147, %eq3A_586 : vector<32x256xi32>
      %and3A_588 = arith.constant 255 : i32
      %and3A_589 = arith.andi %get3A_581, %and3A_588 : i32
      %shift_right_arithmetic3A_590 = arith.constant 8 : i32
      %shift_right_arithmetic3A_591 = arith.shrsi %get3A_581, %shift_right_arithmetic3A_590 : i32
      %and3A_592 = arith.constant 255 : i32
      %and3A_593 = arith.andi %shift_right_arithmetic3A_591, %and3A_592 : i32
      %broadcast_in_dim3A_594 = vector.broadcast %and3A_589 : i32 to vector<32x256xi32>
      %broadcast_in_dim3A_595 = vector.broadcast %and3A_593 : i32 to vector<32x256xi32>
      %select_n3A_596 = arith.select %eq3A_587, %broadcast_in_dim3A_594, %broadcast_in_dim3A_595 : vector<32x256xi1>, vector<32x256xi32>
      %eq3A_597 = arith.constant 2 : i32
      %eq3A_598 = vector.broadcast %eq3A_597 : i32 to vector<32x256xi32>
      %eq3A_599 = arith.cmpi eq, %select_n3A_147, %eq3A_598 : vector<32x256xi32>
      %shift_right_arithmetic3A_600 = arith.constant 16 : i32
      %shift_right_arithmetic3A_601 = arith.shrsi %get3A_581, %shift_right_arithmetic3A_600 : i32
      %and3A_602 = arith.constant 255 : i32
      %and3A_603 = arith.andi %shift_right_arithmetic3A_601, %and3A_602 : i32
      %shift_right_arithmetic3A_604 = arith.constant 24 : i32
      %shift_right_arithmetic3A_605 = arith.shrsi %get3A_581, %shift_right_arithmetic3A_604 : i32
      %and3A_606 = arith.constant 255 : i32
      %and3A_607 = arith.andi %shift_right_arithmetic3A_605, %and3A_606 : i32
      %broadcast_in_dim3A_608 = vector.broadcast %and3A_603 : i32 to vector<32x256xi32>
      %broadcast_in_dim3A_609 = vector.broadcast %and3A_607 : i32 to vector<32x256xi32>
      %select_n3A_610 = arith.select %eq3A_599, %broadcast_in_dim3A_608, %broadcast_in_dim3A_609 : vector<32x256xi1>, vector<32x256xi32>
      %select_n3A_611 = arith.select %lt3A_584, %select_n3A_596, %select_n3A_610 : vector<32x256xi1>, vector<32x256xi32>
      %convert_element_type3A_612 = arith.sitofp %select_n3A_611 : vector<32x256xi32> to vector<32x256xf32>
      %eq3A_613 = arith.constant 7 : i32
      %eq3A_614 = vector.broadcast %eq3A_613 : i32 to vector<32x256xi32>
      %eq3A_615 = arith.cmpi eq, %select_n3A, %eq3A_614 : vector<32x256xi32>
      %mul3A_616 = arith.constant 64 : i32
      %mul3A_617 = arith.muli %get3A_578, %mul3A_616 : i32
      %add3A_618 = vector.broadcast %mul3A_617 : i32 to vector<32x256xi32>
      %add3A_619 = arith.addi %select_n3A_563, %add3A_618 : vector<32x256xi32>
      %select_n3A_620 = arith.select %eq3A_615, %add3A_619, %select_n3A_563 : vector<32x256xi1>, vector<32x256xi32>
      %mul3A_621 = arith.constant 8 : i32
      %mul3A_622 = arith.muli %arg1, %mul3A_621 : i32
      %add3A_623 = arith.constant 7 : i32
      %add3A_624 = arith.addi %mul3A_622, %add3A_623 : i32
      %lt3A_625 = arith.cmpi slt, %add3A_624, %get3A_115 : i32
      %and3A_626 = vector.broadcast %lt3A_625 : i1 to vector<32x256xi1>
      %and3A_627 = arith.andi %eq3A_615, %and3A_626 : vector<32x256xi1>
      %select_n3A_628 = arith.select %and3A_627, %convert_element_type3A_612, %select_n3A_571 : vector<32x256xi1>, vector<32x256xf32>
      %exp3A = math.exp %mul3A_82 : vector<32x256xf32>
      %lt3A_629 = vector.broadcast %get3A_113 : i32 to vector<32x256xi32>
      %lt3A_630 = arith.cmpi slt, %select_n3A_620, %lt3A_629 : vector<32x256xi32>
      %jit3A_631 = arith.constant 0.000000e+00 : f32
      %broadcast_in_dim3A_632 = vector.broadcast %jit3A_631 : f32 to vector<32x256xf32>
      %select_n3A_633 = arith.select %lt3A_630, %select_n3A_628, %broadcast_in_dim3A_632 : vector<32x256xi1>, vector<32x256xf32>
      %mul3A_634 = arith.mulf %exp3A, %select_n3A_633 : vector<32x256xf32>
      %exp3A_635 = math.exp %mul3A_87 : vector<32x256xf32>
      %add3A_636 = arith.constant 1 : i32
      %add3A_637 = vector.broadcast %add3A_636 : i32 to vector<32x256xi32>
      %add3A_638 = arith.addi %select_n3A_620, %add3A_637 : vector<32x256xi32>
      %lt3A_639 = vector.broadcast %get3A_113 : i32 to vector<32x256xi32>
      %lt3A_640 = arith.cmpi slt, %add3A_638, %lt3A_639 : vector<32x256xi32>
      %jit3A_641 = arith.constant 0.000000e+00 : f32
      %broadcast_in_dim3A_642 = vector.broadcast %jit3A_641 : f32 to vector<32x256xf32>
      %select_n3A_643 = arith.select %lt3A_640, %select_n3A_628, %broadcast_in_dim3A_642 : vector<32x256xi1>, vector<32x256xf32>
      %mul3A_644 = arith.mulf %exp3A_635, %select_n3A_643 : vector<32x256xf32>
      %get3A_645 = arith.constant 0 : index
      %get3A_646 = arith.constant 0 : index
      %get3A_647 = vector.load %arg25[%get3A_645, %get3A_646] : memref<32x128xf32, #tpu.memory_space<vmem>>, vector<32x128xf32>
      %reduce_sum3A = arith.constant dense<0.000000e+00> : vector<32xf32>
      %reduce_sum3A_648 = vector.multi_reduction <add>, %mul3A_634, %reduce_sum3A [1] : vector<32x256xf32> to vector<32xf32>
      %broadcast_in_dim3A_649 = vector.shape_cast %reduce_sum3A_648 : vector<32xf32> to vector<32x1xf32>
      %reduce_sum3A_650 = arith.constant dense<0.000000e+00> : vector<32xf32>
      %reduce_sum3A_651 = vector.multi_reduction <add>, %mul3A_644, %reduce_sum3A_650 [1] : vector<32x256xf32> to vector<32xf32>
      %broadcast_in_dim3A_652 = vector.shape_cast %reduce_sum3A_651 : vector<32xf32> to vector<32x1xf32>
      %add3A_653 = arith.addf %broadcast_in_dim3A_649, %broadcast_in_dim3A_652 : vector<32x1xf32>
      %add3A_654 = vector.broadcast %add3A_653 : vector<32x1xf32> to vector<32x128xf32>
      %add3A_655 = arith.addf %get3A_647, %add3A_654 : vector<32x128xf32>
      %swap3A = arith.constant 0 : index
      %swap3A_656 = arith.constant 0 : index
      %swap3A_657 = vector.load %arg25[%swap3A, %swap3A_656] : memref<32x128xf32, #tpu.memory_space<vmem>>, vector<32x128xf32>
      tpu.vector_store %arg25[%swap3A, %swap3A_656], %add3A_655 {strides = array<i32>} : memref<32x128xf32, #tpu.memory_space<vmem>>, vector<32x128xf32>,
      %get3A_658 = arith.constant 0 : index
      %get3A_659 = arith.constant 0 : index
      %get3A_660 = vector.load %arg15[%get3A_658, %get3A_659] : memref<32x512xi32, #tpu.memory_space<vmem>>, vector<32x512xi32>
      %get3A_661 = arith.constant 0 : index
      %get3A_662 = arith.constant 0 : index
      %get3A_663 = vector.load %arg16[%get3A_661, %get3A_662] : memref<32x512xi32, #tpu.memory_space<vmem>>, vector<32x512xi32>
      %get3A_664 = arith.constant 0 : index
      %get3A_665 = arith.constant 0 : index
      %get3A_666 = vector.load %arg17[%get3A_664, %get3A_665] : memref<32x512xi32, #tpu.memory_space<vmem>>, vector<32x512xi32>
      %get3A_667 = arith.constant 0 : index
      %get3A_668 = arith.constant 0 : index
      %get3A_669 = vector.load %arg18[%get3A_667, %get3A_668] : memref<32x512xi32, #tpu.memory_space<vmem>>, vector<32x512xi32>
      %get3A_670 = arith.constant 0 : index
      %get3A_671 = arith.constant 0 : index
      %get3A_672 = vector.load %arg19[%get3A_670, %get3A_671] : memref<32x512xi32, #tpu.memory_space<vmem>>, vector<32x512xi32>
      %get3A_673 = arith.constant 0 : index
      %get3A_674 = arith.constant 0 : index
      %get3A_675 = vector.load %arg20[%get3A_673, %get3A_674] : memref<32x512xi32, #tpu.memory_space<vmem>>, vector<32x512xi32>
      %get3A_676 = arith.constant 0 : index
      %get3A_677 = arith.constant 0 : index
      %get3A_678 = vector.load %arg21[%get3A_676, %get3A_677] : memref<32x512xi32, #tpu.memory_space<vmem>>, vector<32x512xi32>
      %get3A_679 = arith.constant 0 : index
      %get3A_680 = arith.constant 0 : index
      %get3A_681 = vector.load %arg22[%get3A_679, %get3A_680] : memref<32x512xi32, #tpu.memory_space<vmem>>, vector<32x512xi32>
      %concatenate3A_682 = tpu.concatenate %get3A_660, %get3A_663, %get3A_666, %get3A_669, %get3A_672, %get3A_675, %get3A_678, %get3A_681 in 0 : vector<32x512xi32>, vector<32x512xi32>, vector<32x512xi32>, vector<32x512xi32>, vector<32x512xi32>, vector<32x512xi32>, vector<32x512xi32>, vector<32x512xi32> -> vector<256x512xi32>
      %and3A_683 = arith.constant 65535 : i32
      %and3A_684 = vector.broadcast %and3A_683 : i32 to vector<256x512xi32>
      %and3A_685 = arith.andi %concatenate3A_682, %and3A_684 : vector<256x512xi32>
      %and3A_686 = arith.constant 32768 : i32
      %and3A_687 = vector.broadcast %and3A_686 : i32 to vector<256x512xi32>
      %and3A_688 = arith.andi %and3A_685, %and3A_687 : vector<256x512xi32>
      %shift_left3A_689 = arith.constant 16 : i32
      %shift_left3A_690 = vector.broadcast %shift_left3A_689 : i32 to vector<256x512xi32>
      %shift_left3A_691 = arith.shli %and3A_688, %shift_left3A_690 : vector<256x512xi32>
      %and3A_692 = arith.constant 32767 : i32
      %and3A_693 = vector.broadcast %and3A_692 : i32 to vector<256x512xi32>
      %and3A_694 = arith.andi %and3A_685, %and3A_693 : vector<256x512xi32>
      %shift_left3A_695 = arith.constant 13 : i32
      %shift_left3A_696 = vector.broadcast %shift_left3A_695 : i32 to vector<256x512xi32>
      %shift_left3A_697 = arith.shli %and3A_694, %shift_left3A_696 : vector<256x512xi32>
      %or3A_698 = arith.ori %shift_left3A_691, %shift_left3A_697 : vector<256x512xi32>
      %bitcast3A_699 = tpu.bitcast %or3A_698 : vector<256x512xi32> -> vector<256x512xf32>
      %mul3A_700 = arith.constant 5.19229686E+33 : f32
      %mul3A_701 = vector.broadcast %mul3A_700 : f32 to vector<256x512xf32>
      %mul3A_702 = arith.mulf %bitcast3A_699, %mul3A_701 : vector<256x512xf32>
      %shift_right_arithmetic3A_703 = arith.constant 16 : i32
      %shift_right_arithmetic3A_704 = vector.broadcast %shift_right_arithmetic3A_703 : i32 to vector<256x512xi32>
      %shift_right_arithmetic3A_705 = arith.shrsi %concatenate3A_682, %shift_right_arithmetic3A_704 : vector<256x512xi32>
      %and3A_706 = arith.constant 65535 : i32
      %and3A_707 = vector.broadcast %and3A_706 : i32 to vector<256x512xi32>
      %and3A_708 = arith.andi %shift_right_arithmetic3A_705, %and3A_707 : vector<256x512xi32>
      %and3A_709 = arith.constant 32768 : i32
      %and3A_710 = vector.broadcast %and3A_709 : i32 to vector<256x512xi32>
      %and3A_711 = arith.andi %and3A_708, %and3A_710 : vector<256x512xi32>
      %shift_left3A_712 = arith.constant 16 : i32
      %shift_left3A_713 = vector.broadcast %shift_left3A_712 : i32 to vector<256x512xi32>
      %shift_left3A_714 = arith.shli %and3A_711, %shift_left3A_713 : vector<256x512xi32>
      %and3A_715 = arith.constant 32767 : i32
      %and3A_716 = vector.broadcast %and3A_715 : i32 to vector<256x512xi32>
      %and3A_717 = arith.andi %and3A_708, %and3A_716 : vector<256x512xi32>
      %shift_left3A_718 = arith.constant 13 : i32
      %shift_left3A_719 = vector.broadcast %shift_left3A_718 : i32 to vector<256x512xi32>
      %shift_left3A_720 = arith.shli %and3A_717, %shift_left3A_719 : vector<256x512xi32>
      %or3A_721 = arith.ori %shift_left3A_714, %shift_left3A_720 : vector<256x512xi32>
      %bitcast3A_722 = tpu.bitcast %or3A_721 : vector<256x512xi32> -> vector<256x512xf32>
      %mul3A_723 = arith.constant 5.19229686E+33 : f32
      %mul3A_724 = vector.broadcast %mul3A_723 : f32 to vector<256x512xf32>
      %mul3A_725 = arith.mulf %bitcast3A_722, %mul3A_724 : vector<256x512xf32>
      %get3A_726 = arith.constant 0 : index
      %get3A_727 = arith.constant 0 : index
      %get3A_728 = vector.load %arg24[%get3A_726, %get3A_727] : memref<32x512xf32, #tpu.memory_space<vmem>>, vector<32x512xf32>
      %dot_general3A_729 = arith.constant dense<0.000000e+00> : vector<32x512xf32>
      %dot_general3A_730 = tpu.matmul %mul3A_634, %mul3A_702, %dot_general3A_729 {dimension_numbers = #tpu.dot_dimension_numbers<[1], [0], [0], [1], [0, 0, 1, 1], [], []>, transpose_lhs_hint = false} : vector<32x256xf32>, vector<256x512xf32>, vector<32x512xf32> -> vector<32x512xf32>
      %dot_general3A_731 = arith.constant dense<0.000000e+00> : vector<32x512xf32>
      %dot_general3A_732 = tpu.matmul %mul3A_644, %mul3A_725, %dot_general3A_731 {dimension_numbers = #tpu.dot_dimension_numbers<[1], [0], [0], [1], [0, 0, 1, 1], [], []>, transpose_lhs_hint = false} : vector<32x256xf32>, vector<256x512xf32>, vector<32x512xf32> -> vector<32x512xf32>
      %add3A_733 = arith.addf %dot_general3A_730, %dot_general3A_732 : vector<32x512xf32>
      %add3A_734 = arith.addf %get3A_728, %add3A_733 : vector<32x512xf32>
      %swap3A_735 = arith.constant 0 : index
      %swap3A_736 = arith.constant 0 : index
      %swap3A_737 = vector.load %arg24[%swap3A_735, %swap3A_736] : memref<32x512xf32, #tpu.memory_space<vmem>>, vector<32x512xf32>
      tpu.vector_store %arg24[%swap3A_735, %swap3A_736], %add3A_734 {strides = array<i32>} : memref<32x512xf32, #tpu.memory_space<vmem>>, vector<32x512xf32>,
    } else {
    }
    %eq3A_7 = arith.constant 7 : i32
    %eq3A_8 = arith.cmpi eq, %arg1, %eq3A_7 : i32
    %convert_element_type3A_9 = arith.extui %eq3A_8 : i1 to i32
    %cond3A_10 = arith.constant 0 : i32
    %cond3A_11 = arith.cmpi ne, %convert_element_type3A_9, %cond3A_10 : i32
    scf.if %cond3A_11 {
      %get3A_12 = arith.constant 0 : index
      %get3A_13 = arith.constant 0 : index
      %get3A_14 = vector.load %arg25[%get3A_12, %get3A_13] : memref<32x128xf32, #tpu.memory_space<vmem>>, vector<32x128xf32>
      %reduce_max3A = arith.constant dense<0xFF800000> : vector<32xf32>
      %reduce_max3A_15 = vector.multi_reduction <maximumf>, %get3A_14, %reduce_max3A [1] : vector<32x128xf32> to vector<32xf32>
      %broadcast_in_dim3A = vector.shape_cast %reduce_max3A_15 : vector<32xf32> to vector<32x1xf32>
      %iota3A = tpu.iota {dimensions = array<i32: 0>} : vector<32x1xi32>
      %jit3A = arith.constant 8 : i32
      %div3A = vector.broadcast %jit3A : i32 to vector<32x1xi32>
      %div3A_16 = arith.divsi %iota3A, %div3A : vector<32x1xi32>
      %sign3A = arith.constant 0 : i32
      %sign3A_17 = vector.broadcast %sign3A : i32 to vector<32x1xi32>
      %sign3A_18 = arith.cmpi sgt, %iota3A, %sign3A_17 : vector<32x1xi32>
      %sign3A_19 = arith.extui %sign3A_18 : vector<32x1xi1> to vector<32x1xi32>
      %sign3A_20 = arith.constant 0 : i32
      %sign3A_21 = vector.broadcast %sign3A_20 : i32 to vector<32x1xi32>
      %sign3A_22 = arith.cmpi slt, %iota3A, %sign3A_21 : vector<32x1xi32>
      %sign3A_23 = arith.extui %sign3A_22 : vector<32x1xi1> to vector<32x1xi32>
      %sign3A_24 = arith.subi %sign3A_19, %sign3A_23 : vector<32x1xi32>
      %sign3A_25 = arith.constant 0 : i32
      %sign3A_26 = arith.cmpi sgt, %jit3A, %sign3A_25 : i32
      %sign3A_27 = arith.extui %sign3A_26 : i1 to i32
      %sign3A_28 = arith.constant 0 : i32
      %sign3A_29 = arith.cmpi slt, %jit3A, %sign3A_28 : i32
      %sign3A_30 = arith.extui %sign3A_29 : i1 to i32
      %sign3A_31 = arith.subi %sign3A_27, %sign3A_30 : i32
      %ne3A = vector.broadcast %sign3A_31 : i32 to vector<32x1xi32>
      %ne3A_32 = arith.cmpi ne, %sign3A_24, %ne3A : vector<32x1xi32>
      %rem3A = vector.broadcast %jit3A : i32 to vector<32x1xi32>
      %rem3A_33 = arith.remsi %iota3A, %rem3A : vector<32x1xi32>
      %ne3A_34 = arith.constant 0 : i32
      %ne3A_35 = vector.broadcast %ne3A_34 : i32 to vector<32x1xi32>
      %ne3A_36 = arith.cmpi ne, %rem3A_33, %ne3A_35 : vector<32x1xi32>
      %and3A = arith.andi %ne3A_32, %ne3A_36 : vector<32x1xi1>
      %sub3A = arith.constant 1 : i32
      %sub3A_37 = vector.broadcast %sub3A : i32 to vector<32x1xi32>
      %sub3A_38 = arith.subi %div3A_16, %sub3A_37 : vector<32x1xi32>
      %select_n3A = arith.select %and3A, %sub3A_38, %div3A_16 : vector<32x1xi1>, vector<32x1xi32>
      %broadcast_in_dim3A_39 = arith.constant 0.000000e+00 : f32
      %broadcast_in_dim3A_40 = vector.broadcast %broadcast_in_dim3A_39 : f32 to vector<32x128xf32>
      %eq3A_41 = arith.constant 0 : i32
      %eq3A_42 = vector.broadcast %eq3A_41 : i32 to vector<32x1xi32>
      %eq3A_43 = arith.cmpi eq, %select_n3A, %eq3A_42 : vector<32x1xi32>
      %get3A_44 = arith.constant 0 : index
      %get3A_45 = arith.constant 0 : index
      %get3A_46 = vector.load %arg24[%get3A_44, %get3A_45] : memref<32x512xf32, #tpu.memory_space<vmem>>, vector<32x128xf32>
      %jit3A_47 = arith.constant 0.000000e+00 : f32
      %broadcast_in_dim3A_48 = vector.shape_cast %eq3A_43 : vector<32x1xi1> to vector<32x1xi1>
      %broadcast_in_dim3A_49 = vector.broadcast %broadcast_in_dim3A_48 : vector<32x1xi1> to vector<32x128xi1>
      %broadcast_in_dim3A_50 = vector.broadcast %jit3A_47 : f32 to vector<32x128xf32>
      %select_n3A_51 = arith.select %broadcast_in_dim3A_49, %get3A_46, %broadcast_in_dim3A_50 : vector<32x128xi1>, vector<32x128xf32>
      %add3A = arith.addf %broadcast_in_dim3A_40, %select_n3A_51 : vector<32x128xf32>
      %eq3A_52 = arith.constant 1 : i32
      %eq3A_53 = vector.broadcast %eq3A_52 : i32 to vector<32x1xi32>
      %eq3A_54 = arith.cmpi eq, %select_n3A, %eq3A_53 : vector<32x1xi32>
      %get3A_55 = arith.constant 0 : index
      %get3A_56 = arith.constant 128 : index
      %get3A_57 = vector.load %arg24[%get3A_55, %get3A_56] : memref<32x512xf32, #tpu.memory_space<vmem>>, vector<32x128xf32>
      %jit3A_58 = arith.constant 0.000000e+00 : f32
      %broadcast_in_dim3A_59 = vector.shape_cast %eq3A_54 : vector<32x1xi1> to vector<32x1xi1>
      %broadcast_in_dim3A_60 = vector.broadcast %broadcast_in_dim3A_59 : vector<32x1xi1> to vector<32x128xi1>
      %broadcast_in_dim3A_61 = vector.broadcast %jit3A_58 : f32 to vector<32x128xf32>
      %select_n3A_62 = arith.select %broadcast_in_dim3A_60, %get3A_57, %broadcast_in_dim3A_61 : vector<32x128xi1>, vector<32x128xf32>
      %add3A_63 = arith.addf %add3A, %select_n3A_62 : vector<32x128xf32>
      %eq3A_64 = arith.constant 2 : i32
      %eq3A_65 = vector.broadcast %eq3A_64 : i32 to vector<32x1xi32>
      %eq3A_66 = arith.cmpi eq, %select_n3A, %eq3A_65 : vector<32x1xi32>
      %get3A_67 = arith.constant 0 : index
      %get3A_68 = arith.constant 256 : index
      %get3A_69 = vector.load %arg24[%get3A_67, %get3A_68] : memref<32x512xf32, #tpu.memory_space<vmem>>, vector<32x128xf32>
      %jit3A_70 = arith.constant 0.000000e+00 : f32
      %broadcast_in_dim3A_71 = vector.shape_cast %eq3A_66 : vector<32x1xi1> to vector<32x1xi1>
      %broadcast_in_dim3A_72 = vector.broadcast %broadcast_in_dim3A_71 : vector<32x1xi1> to vector<32x128xi1>
      %broadcast_in_dim3A_73 = vector.broadcast %jit3A_70 : f32 to vector<32x128xf32>
      %select_n3A_74 = arith.select %broadcast_in_dim3A_72, %get3A_69, %broadcast_in_dim3A_73 : vector<32x128xi1>, vector<32x128xf32>
      %add3A_75 = arith.addf %add3A_63, %select_n3A_74 : vector<32x128xf32>
      %eq3A_76 = arith.constant 3 : i32
      %eq3A_77 = vector.broadcast %eq3A_76 : i32 to vector<32x1xi32>
      %eq3A_78 = arith.cmpi eq, %select_n3A, %eq3A_77 : vector<32x1xi32>
      %get3A_79 = arith.constant 0 : index
      %get3A_80 = arith.constant 384 : index
      %get3A_81 = vector.load %arg24[%get3A_79, %get3A_80] : memref<32x512xf32, #tpu.memory_space<vmem>>, vector<32x128xf32>
      %jit3A_82 = arith.constant 0.000000e+00 : f32
      %broadcast_in_dim3A_83 = vector.shape_cast %eq3A_78 : vector<32x1xi1> to vector<32x1xi1>
      %broadcast_in_dim3A_84 = vector.broadcast %broadcast_in_dim3A_83 : vector<32x1xi1> to vector<32x128xi1>
      %broadcast_in_dim3A_85 = vector.broadcast %jit3A_82 : f32 to vector<32x128xf32>
      %select_n3A_86 = arith.select %broadcast_in_dim3A_84, %get3A_81, %broadcast_in_dim3A_85 : vector<32x128xi1>, vector<32x128xf32>
      %add3A_87 = arith.addf %add3A_75, %select_n3A_86 : vector<32x128xf32>
      %gt3A = arith.constant 0.000000e+00 : f32
      %gt3A_88 = vector.broadcast %gt3A : f32 to vector<32x1xf32>
      %gt3A_89 = arith.cmpf ogt, %broadcast_in_dim3A, %gt3A_88 : vector<32x1xf32>
      %max3A = arith.constant 1.000000e-30 : f32
      %max3A_90 = vector.broadcast %max3A : f32 to vector<32x1xf32>
      %max3A_91 = arith.maximumf %broadcast_in_dim3A, %max3A_90 : vector<32x1xf32>
      %div3A_92 = arith.constant 1.000000e+00 : f32
      %div3A_93 = vector.broadcast %div3A_92 : f32 to vector<32x1xf32>
      %div3A_94 = arith.divf %div3A_93, %max3A_91 : vector<32x1xf32>
      %jit3A_95 = arith.constant 0.000000e+00 : f32
      %broadcast_in_dim3A_96 = vector.broadcast %jit3A_95 : f32 to vector<32x1xf32>
      %select_n3A_97 = arith.select %gt3A_89, %div3A_94, %broadcast_in_dim3A_96 : vector<32x1xi1>, vector<32x1xf32>
      %mul3A_98 = vector.broadcast %select_n3A_97 : vector<32x1xf32> to vector<32x128xf32>
      %mul3A_99 = arith.mulf %add3A_87, %mul3A_98 : vector<32x128xf32>
      %swap3A = arith.constant 0 : index
      %swap3A_100 = arith.constant 0 : index
      %swap3A_101 = vector.load %arg23[%swap3A, %swap3A_100] : memref<32x128xf32, #tpu.memory_space<vmem>>, vector<32x128xf32>
      tpu.vector_store %arg23[%swap3A, %swap3A_100], %mul3A_99 {strides = array<i32>} : memref<32x128xf32, #tpu.memory_space<vmem>>, vector<32x128xf32>,
    } else {
    }
    return
  }
  func.func @transform_0(%arg0: i32, %arg1: i32, %arg2: memref<32x64xi32, #tpu.memory_space<smem>>, %arg3: memref<32xi32, #tpu.memory_space<smem>>, %arg4: memref<32x64xi32, #tpu.memory_space<smem>>, %arg5: memref<32xi32, #tpu.memory_space<smem>>) -> (i32, i32, i32) {
    %c0_i32 = arith.constant 0 : i32
    %c0_i32_0 = arith.constant 0 : i32
    %c0_i32_1 = arith.constant 0 : i32
    return %arg0, %c0_i32, %c0_i32_0 : i32, i32, i32
  }
  func.func @transform_1(%arg0: i32, %arg1: i32, %arg2: memref<32x64xi32, #tpu.memory_space<smem>>, %arg3: memref<32xi32, #tpu.memory_space<smem>>, %arg4: memref<32x64xi32, #tpu.memory_space<smem>>, %arg5: memref<32xi32, #tpu.memory_space<smem>>) -> (i32, i32) {
    %mul3A = arith.constant 64 : i32
    %mul3A_0 = arith.muli %arg0, %mul3A : i32
    %mul3A_1 = arith.constant 8 : i32
    %mul3A_2 = arith.muli %arg1, %mul3A_1 : i32
    %add3A = arith.constant 0 : i32
    %add3A_3 = arith.addi %mul3A_2, %add3A : i32
    %get3A = arith.index_cast %arg0 : i32 to index
    %get3A_4 = arith.index_cast %add3A_3 : i32 to index
    %get3A_5 = memref.load %arg2[%get3A, %get3A_4] : memref<32x64xi32, #tpu.memory_space<smem>>
    %add3A_6 = arith.addi %mul3A_0, %get3A_5 : i32
    %c0_i32 = arith.constant 0 : i32
    %c0_i32_7 = arith.constant 0 : i32
    return %add3A_6, %c0_i32 : i32, i32
  }
  func.func @transform_2(%arg0: i32, %arg1: i32, %arg2: memref<32x64xi32, #tpu.memory_space<smem>>, %arg3: memref<32xi32, #tpu.memory_space<smem>>, %arg4: memref<32x64xi32, #tpu.memory_space<smem>>, %arg5: memref<32xi32, #tpu.memory_space<smem>>) -> (i32, i32) {
    %mul3A = arith.constant 64 : i32
    %mul3A_0 = arith.muli %arg0, %mul3A : i32
    %mul3A_1 = arith.constant 8 : i32
    %mul3A_2 = arith.muli %arg1, %mul3A_1 : i32
    %add3A = arith.constant 1 : i32
    %add3A_3 = arith.addi %mul3A_2, %add3A : i32
    %get3A = arith.index_cast %arg0 : i32 to index
    %get3A_4 = arith.index_cast %add3A_3 : i32 to index
    %get3A_5 = memref.load %arg2[%get3A, %get3A_4] : memref<32x64xi32, #tpu.memory_space<smem>>
    %add3A_6 = arith.addi %mul3A_0, %get3A_5 : i32
    %c0_i32 = arith.constant 0 : i32
    %c0_i32_7 = arith.constant 0 : i32
    return %add3A_6, %c0_i32 : i32, i32
  }
  func.func @transform_3(%arg0: i32, %arg1: i32, %arg2: memref<32x64xi32, #tpu.memory_space<smem>>, %arg3: memref<32xi32, #tpu.memory_space<smem>>, %arg4: memref<32x64xi32, #tpu.memory_space<smem>>, %arg5: memref<32xi32, #tpu.memory_space<smem>>) -> (i32, i32) {
    %mul3A = arith.constant 64 : i32
    %mul3A_0 = arith.muli %arg0, %mul3A : i32
    %mul3A_1 = arith.constant 8 : i32
    %mul3A_2 = arith.muli %arg1, %mul3A_1 : i32
    %add3A = arith.constant 2 : i32
    %add3A_3 = arith.addi %mul3A_2, %add3A : i32
    %get3A = arith.index_cast %arg0 : i32 to index
    %get3A_4 = arith.index_cast %add3A_3 : i32 to index
    %get3A_5 = memref.load %arg2[%get3A, %get3A_4] : memref<32x64xi32, #tpu.memory_space<smem>>
    %add3A_6 = arith.addi %mul3A_0, %get3A_5 : i32
    %c0_i32 = arith.constant 0 : i32
    %c0_i32_7 = arith.constant 0 : i32
    return %add3A_6, %c0_i32 : i32, i32
  }
  func.func @transform_4(%arg0: i32, %arg1: i32, %arg2: memref<32x64xi32, #tpu.memory_space<smem>>, %arg3: memref<32xi32, #tpu.memory_space<smem>>, %arg4: memref<32x64xi32, #tpu.memory_space<smem>>, %arg5: memref<32xi32, #tpu.memory_space<smem>>) -> (i32, i32) {
    %mul3A = arith.constant 64 : i32
    %mul3A_0 = arith.muli %arg0, %mul3A : i32
    %mul3A_1 = arith.constant 8 : i32
    %mul3A_2 = arith.muli %arg1, %mul3A_1 : i32
    %add3A = arith.constant 3 : i32
    %add3A_3 = arith.addi %mul3A_2, %add3A : i32
    %get3A = arith.index_cast %arg0 : i32 to index
    %get3A_4 = arith.index_cast %add3A_3 : i32 to index
    %get3A_5 = memref.load %arg2[%get3A, %get3A_4] : memref<32x64xi32, #tpu.memory_space<smem>>
    %add3A_6 = arith.addi %mul3A_0, %get3A_5 : i32
    %c0_i32 = arith.constant 0 : i32
    %c0_i32_7 = arith.constant 0 : i32
    return %add3A_6, %c0_i32 : i32, i32
  }
  func.func @transform_5(%arg0: i32, %arg1: i32, %arg2: memref<32x64xi32, #tpu.memory_space<smem>>, %arg3: memref<32xi32, #tpu.memory_space<smem>>, %arg4: memref<32x64xi32, #tpu.memory_space<smem>>, %arg5: memref<32xi32, #tpu.memory_space<smem>>) -> (i32, i32) {
    %mul3A = arith.constant 64 : i32
    %mul3A_0 = arith.muli %arg0, %mul3A : i32
    %mul3A_1 = arith.constant 8 : i32
    %mul3A_2 = arith.muli %arg1, %mul3A_1 : i32
    %add3A = arith.constant 4 : i32
    %add3A_3 = arith.addi %mul3A_2, %add3A : i32
    %get3A = arith.index_cast %arg0 : i32 to index
    %get3A_4 = arith.index_cast %add3A_3 : i32 to index
    %get3A_5 = memref.load %arg2[%get3A, %get3A_4] : memref<32x64xi32, #tpu.memory_space<smem>>
    %add3A_6 = arith.addi %mul3A_0, %get3A_5 : i32
    %c0_i32 = arith.constant 0 : i32
    %c0_i32_7 = arith.constant 0 : i32
    return %add3A_6, %c0_i32 : i32, i32
  }
  func.func @transform_6(%arg0: i32, %arg1: i32, %arg2: memref<32x64xi32, #tpu.memory_space<smem>>, %arg3: memref<32xi32, #tpu.memory_space<smem>>, %arg4: memref<32x64xi32, #tpu.memory_space<smem>>, %arg5: memref<32xi32, #tpu.memory_space<smem>>) -> (i32, i32) {
    %mul3A = arith.constant 64 : i32
    %mul3A_0 = arith.muli %arg0, %mul3A : i32
    %mul3A_1 = arith.constant 8 : i32
    %mul3A_2 = arith.muli %arg1, %mul3A_1 : i32
    %add3A = arith.constant 5 : i32
    %add3A_3 = arith.addi %mul3A_2, %add3A : i32
    %get3A = arith.index_cast %arg0 : i32 to index
    %get3A_4 = arith.index_cast %add3A_3 : i32 to index
    %get3A_5 = memref.load %arg2[%get3A, %get3A_4] : memref<32x64xi32, #tpu.memory_space<smem>>
    %add3A_6 = arith.addi %mul3A_0, %get3A_5 : i32
    %c0_i32 = arith.constant 0 : i32
    %c0_i32_7 = arith.constant 0 : i32
    return %add3A_6, %c0_i32 : i32, i32
  }
  func.func @transform_7(%arg0: i32, %arg1: i32, %arg2: memref<32x64xi32, #tpu.memory_space<smem>>, %arg3: memref<32xi32, #tpu.memory_space<smem>>, %arg4: memref<32x64xi32, #tpu.memory_space<smem>>, %arg5: memref<32xi32, #tpu.memory_space<smem>>) -> (i32, i32) {
    %mul3A = arith.constant 64 : i32
    %mul3A_0 = arith.muli %arg0, %mul3A : i32
    %mul3A_1 = arith.constant 8 : i32
    %mul3A_2 = arith.muli %arg1, %mul3A_1 : i32
    %add3A = arith.constant 6 : i32
    %add3A_3 = arith.addi %mul3A_2, %add3A : i32
    %get3A = arith.index_cast %arg0 : i32 to index
    %get3A_4 = arith.index_cast %add3A_3 : i32 to index
    %get3A_5 = memref.load %arg2[%get3A, %get3A_4] : memref<32x64xi32, #tpu.memory_space<smem>>
    %add3A_6 = arith.addi %mul3A_0, %get3A_5 : i32
    %c0_i32 = arith.constant 0 : i32
    %c0_i32_7 = arith.constant 0 : i32
    return %add3A_6, %c0_i32 : i32, i32
  }
  func.func @transform_8(%arg0: i32, %arg1: i32, %arg2: memref<32x64xi32, #tpu.memory_space<smem>>, %arg3: memref<32xi32, #tpu.memory_space<smem>>, %arg4: memref<32x64xi32, #tpu.memory_space<smem>>, %arg5: memref<32xi32, #tpu.memory_space<smem>>) -> (i32, i32) {
    %mul3A = arith.constant 64 : i32
    %mul3A_0 = arith.muli %arg0, %mul3A : i32
    %mul3A_1 = arith.constant 8 : i32
    %mul3A_2 = arith.muli %arg1, %mul3A_1 : i32
    %add3A = arith.constant 7 : i32
    %add3A_3 = arith.addi %mul3A_2, %add3A : i32
    %get3A = arith.index_cast %arg0 : i32 to index
    %get3A_4 = arith.index_cast %add3A_3 : i32 to index
    %get3A_5 = memref.load %arg2[%get3A, %get3A_4] : memref<32x64xi32, #tpu.memory_space<smem>>
    %add3A_6 = arith.addi %mul3A_0, %get3A_5 : i32
    %c0_i32 = arith.constant 0 : i32
    %c0_i32_7 = arith.constant 0 : i32
    return %add3A_6, %c0_i32 : i32, i32
  }
  func.func @transform_9(%arg0: i32, %arg1: i32, %arg2: memref<32x64xi32, #tpu.memory_space<smem>>, %arg3: memref<32xi32, #tpu.memory_space<smem>>, %arg4: memref<32x64xi32, #tpu.memory_space<smem>>, %arg5: memref<32xi32, #tpu.memory_space<smem>>) -> (i32, i32) {
    %mul3A = arith.constant 64 : i32
    %mul3A_0 = arith.muli %arg0, %mul3A : i32
    %mul3A_1 = arith.constant 8 : i32
    %mul3A_2 = arith.muli %arg1, %mul3A_1 : i32
    %add3A = arith.constant 0 : i32
    %add3A_3 = arith.addi %mul3A_2, %add3A : i32
    %get3A = arith.index_cast %arg0 : i32 to index
    %get3A_4 = arith.index_cast %add3A_3 : i32 to index
    %get3A_5 = memref.load %arg2[%get3A, %get3A_4] : memref<32x64xi32, #tpu.memory_space<smem>>
    %add3A_6 = arith.addi %mul3A_0, %get3A_5 : i32
    %c0_i32 = arith.constant 0 : i32
    %c0_i32_7 = arith.constant 0 : i32
    return %add3A_6, %c0_i32 : i32, i32
  }
  func.func @transform_10(%arg0: i32, %arg1: i32, %arg2: memref<32x64xi32, #tpu.memory_space<smem>>, %arg3: memref<32xi32, #tpu.memory_space<smem>>, %arg4: memref<32x64xi32, #tpu.memory_space<smem>>, %arg5: memref<32xi32, #tpu.memory_space<smem>>) -> (i32, i32) {
    %mul3A = arith.constant 64 : i32
    %mul3A_0 = arith.muli %arg0, %mul3A : i32
    %mul3A_1 = arith.constant 8 : i32
    %mul3A_2 = arith.muli %arg1, %mul3A_1 : i32
    %add3A = arith.constant 1 : i32
    %add3A_3 = arith.addi %mul3A_2, %add3A : i32
    %get3A = arith.index_cast %arg0 : i32 to index
    %get3A_4 = arith.index_cast %add3A_3 : i32 to index
    %get3A_5 = memref.load %arg2[%get3A, %get3A_4] : memref<32x64xi32, #tpu.memory_space<smem>>
    %add3A_6 = arith.addi %mul3A_0, %get3A_5 : i32
    %c0_i32 = arith.constant 0 : i32
    %c0_i32_7 = arith.constant 0 : i32
    return %add3A_6, %c0_i32 : i32, i32
  }
  func.func @transform_11(%arg0: i32, %arg1: i32, %arg2: memref<32x64xi32, #tpu.memory_space<smem>>, %arg3: memref<32xi32, #tpu.memory_space<smem>>, %arg4: memref<32x64xi32, #tpu.memory_space<smem>>, %arg5: memref<32xi32, #tpu.memory_space<smem>>) -> (i32, i32) {
    %mul3A = arith.constant 64 : i32
    %mul3A_0 = arith.muli %arg0, %mul3A : i32
    %mul3A_1 = arith.constant 8 : i32
    %mul3A_2 = arith.muli %arg1, %mul3A_1 : i32
    %add3A = arith.constant 2 : i32
    %add3A_3 = arith.addi %mul3A_2, %add3A : i32
    %get3A = arith.index_cast %arg0 : i32 to index
    %get3A_4 = arith.index_cast %add3A_3 : i32 to index
    %get3A_5 = memref.load %arg2[%get3A, %get3A_4] : memref<32x64xi32, #tpu.memory_space<smem>>
    %add3A_6 = arith.addi %mul3A_0, %get3A_5 : i32
    %c0_i32 = arith.constant 0 : i32
    %c0_i32_7 = arith.constant 0 : i32
    return %add3A_6, %c0_i32 : i32, i32
  }
  func.func @transform_12(%arg0: i32, %arg1: i32, %arg2: memref<32x64xi32, #tpu.memory_space<smem>>, %arg3: memref<32xi32, #tpu.memory_space<smem>>, %arg4: memref<32x64xi32, #tpu.memory_space<smem>>, %arg5: memref<32xi32, #tpu.memory_space<smem>>) -> (i32, i32) {
    %mul3A = arith.constant 64 : i32
    %mul3A_0 = arith.muli %arg0, %mul3A : i32
    %mul3A_1 = arith.constant 8 : i32
    %mul3A_2 = arith.muli %arg1, %mul3A_1 : i32
    %add3A = arith.constant 3 : i32
    %add3A_3 = arith.addi %mul3A_2, %add3A : i32
    %get3A = arith.index_cast %arg0 : i32 to index
    %get3A_4 = arith.index_cast %add3A_3 : i32 to index
    %get3A_5 = memref.load %arg2[%get3A, %get3A_4] : memref<32x64xi32, #tpu.memory_space<smem>>
    %add3A_6 = arith.addi %mul3A_0, %get3A_5 : i32
    %c0_i32 = arith.constant 0 : i32
    %c0_i32_7 = arith.constant 0 : i32
    return %add3A_6, %c0_i32 : i32, i32
  }
  func.func @transform_13(%arg0: i32, %arg1: i32, %arg2: memref<32x64xi32, #tpu.memory_space<smem>>, %arg3: memref<32xi32, #tpu.memory_space<smem>>, %arg4: memref<32x64xi32, #tpu.memory_space<smem>>, %arg5: memref<32xi32, #tpu.memory_space<smem>>) -> (i32, i32) {
    %mul3A = arith.constant 64 : i32
    %mul3A_0 = arith.muli %arg0, %mul3A : i32
    %mul3A_1 = arith.constant 8 : i32
    %mul3A_2 = arith.muli %arg1, %mul3A_1 : i32
    %add3A = arith.constant 4 : i32
    %add3A_3 = arith.addi %mul3A_2, %add3A : i32
    %get3A = arith.index_cast %arg0 : i32 to index
    %get3A_4 = arith.index_cast %add3A_3 : i32 to index
    %get3A_5 = memref.load %arg2[%get3A, %get3A_4] : memref<32x64xi32, #tpu.memory_space<smem>>
    %add3A_6 = arith.addi %mul3A_0, %get3A_5 : i32
    %c0_i32 = arith.constant 0 : i32
    %c0_i32_7 = arith.constant 0 : i32
    return %add3A_6, %c0_i32 : i32, i32
  }
  func.func @transform_14(%arg0: i32, %arg1: i32, %arg2: memref<32x64xi32, #tpu.memory_space<smem>>, %arg3: memref<32xi32, #tpu.memory_space<smem>>, %arg4: memref<32x64xi32, #tpu.memory_space<smem>>, %arg5: memref<32xi32, #tpu.memory_space<smem>>) -> (i32, i32) {
    %mul3A = arith.constant 64 : i32
    %mul3A_0 = arith.muli %arg0, %mul3A : i32
    %mul3A_1 = arith.constant 8 : i32
    %mul3A_2 = arith.muli %arg1, %mul3A_1 : i32
    %add3A = arith.constant 5 : i32
    %add3A_3 = arith.addi %mul3A_2, %add3A : i32
    %get3A = arith.index_cast %arg0 : i32 to index
    %get3A_4 = arith.index_cast %add3A_3 : i32 to index
    %get3A_5 = memref.load %arg2[%get3A, %get3A_4] : memref<32x64xi32, #tpu.memory_space<smem>>
    %add3A_6 = arith.addi %mul3A_0, %get3A_5 : i32
    %c0_i32 = arith.constant 0 : i32
    %c0_i32_7 = arith.constant 0 : i32
    return %add3A_6, %c0_i32 : i32, i32
  }
  func.func @transform_15(%arg0: i32, %arg1: i32, %arg2: memref<32x64xi32, #tpu.memory_space<smem>>, %arg3: memref<32xi32, #tpu.memory_space<smem>>, %arg4: memref<32x64xi32, #tpu.memory_space<smem>>, %arg5: memref<32xi32, #tpu.memory_space<smem>>) -> (i32, i32) {
    %mul3A = arith.constant 64 : i32
    %mul3A_0 = arith.muli %arg0, %mul3A : i32
    %mul3A_1 = arith.constant 8 : i32
    %mul3A_2 = arith.muli %arg1, %mul3A_1 : i32
    %add3A = arith.constant 6 : i32
    %add3A_3 = arith.addi %mul3A_2, %add3A : i32
    %get3A = arith.index_cast %arg0 : i32 to index
    %get3A_4 = arith.index_cast %add3A_3 : i32 to index
    %get3A_5 = memref.load %arg2[%get3A, %get3A_4] : memref<32x64xi32, #tpu.memory_space<smem>>
    %add3A_6 = arith.addi %mul3A_0, %get3A_5 : i32
    %c0_i32 = arith.constant 0 : i32
    %c0_i32_7 = arith.constant 0 : i32
    return %add3A_6, %c0_i32 : i32, i32
  }
  func.func @transform_16(%arg0: i32, %arg1: i32, %arg2: memref<32x64xi32, #tpu.memory_space<smem>>, %arg3: memref<32xi32, #tpu.memory_space<smem>>, %arg4: memref<32x64xi32, #tpu.memory_space<smem>>, %arg5: memref<32xi32, #tpu.memory_space<smem>>) -> (i32, i32) {
    %mul3A = arith.constant 64 : i32
    %mul3A_0 = arith.muli %arg0, %mul3A : i32
    %mul3A_1 = arith.constant 8 : i32
    %mul3A_2 = arith.muli %arg1, %mul3A_1 : i32
    %add3A = arith.constant 7 : i32
    %add3A_3 = arith.addi %mul3A_2, %add3A : i32
    %get3A = arith.index_cast %arg0 : i32 to index
    %get3A_4 = arith.index_cast %add3A_3 : i32 to index
    %get3A_5 = memref.load %arg2[%get3A, %get3A_4] : memref<32x64xi32, #tpu.memory_space<smem>>
    %add3A_6 = arith.addi %mul3A_0, %get3A_5 : i32
    %c0_i32 = arith.constant 0 : i32
    %c0_i32_7 = arith.constant 0 : i32
    return %add3A_6, %c0_i32 : i32, i32
  }
  func.func @transform_17(%arg0: i32, %arg1: i32, %arg2: memref<32x64xi32, #tpu.memory_space<smem>>, %arg3: memref<32xi32, #tpu.memory_space<smem>>, %arg4: memref<32x64xi32, #tpu.memory_space<smem>>, %arg5: memref<32xi32, #tpu.memory_space<smem>>) -> (i32, i32) {
    %c0_i32 = arith.constant 0 : i32
    %c0_i32_0 = arith.constant 0 : i32
    return %arg0, %c0_i32 : i32, i32
  }
}

</mosaic_0001>

<sc_bundles>
// kernel: gather_offload_async_start
scs
__scs_entry_jumppad:
0x0: {  	(pc) =	sbr.rel $0x88, $3  }
0x1: {  	(tag) =	ssettag $0x0;
	lr =	simm.s32 $0x1  }
0x2: {  	[smem:$0x3F9C] =	sst lr;
	_ =	strace $0xD0000000  }
0x3: {  	_ = 	snop  }
0x4: {  	_ = 	snop  }
0x5: {  	_ = 	snop  }
0x6: {  	_ = 	snop  }
0x7: {  	_ = 	snop  }
__scs_overlays_trampoline_lowered:
0x8: {  	[smem:$0x3FAB] =	sst s0  }
0x9: {  	[smem:$0x3FAC] =	sst s1  }
0xa: {  	[smem:$0x3FAD] =	sst s2  }
0xb: {  	[smem:$0x3FAE] =	sst s3  }
0xc: {  	[smem:$0x3FAF] =	sst s4  }
0xd: {  	[smem:$0x3FB0] =	sst s5  }
0xe: {  	[smem:$0x3FB1] =	sst s6  }
0xf: {  	[smem:$0x3FB2] =	sst s7  }
0x10: {  	[smem:$0x3FB3] =	sst s8  }
0x11: {  	[smem:$0x3FB4] =	sst s9;
	s0 =	simm.s32 @!p0 $0x0  }
0x12: {  	s1 =	sld [smem:$0x3F9A];
	s0 =	simm.s32 @p0 $0x1  }
0x13: {  	[smem:$0x3FB5] =	sst s0;
	s0 =	simm.s32 @!p1 $0x0  }
0x14: {  	s2 =	sld [smem:$0x3F99];
	s0 =	simm.s32 @p1 $0x1  }
0x15: {  	[smem:$0x3FB6] =	sst s0;
	s0 =	simm.s32 @!p2 $0x0  }
0x16: {  	s3 =	sld [smem:$0x3FDB];
	s0 =	simm.s32 @p2 $0x1  }
0x17: {  	s4 =	simm.s32 $0x1BF5;
	[smem:$0x3FB8] =	sst s0  }
0x18: {  	s0 =	sld [smem:$0x3F9B];
	_ =	swait.ge [sflag:s4], $0x0  }
0x19: {  	s7 =	sld [smem:$0x3F9C]  }
0x1a: {  	s8 =	sadd.s32 $0xFFFFE003, lr  }
0x1b: {  	s9 =	sadd.s32 $0xFFFFFEF7, lr;
	s5 =	simm.s32 $0xFFFFFFFF;
	p2 =	slt.u32 s8, $0xFFFFF086  }
0x1c: {  	p1 =	slt.u32 s9, $0xF7A;
	s5 =	simm.s32 @!p2 $0x0  }
0x1d: {  	s5 =	simm.s32 @p1 $0x1;
	p0 =	seq.s32 s7, s2  }
0x1e: {  	s7 =	smul.u32 @!p0 $0xF7A, s2;
	p2 =	seq.s32 @!p0 s5, $0x0  }
0x1f: {  	s9 =	smul.u32 $0xF7A, s1;
	s8 =	simm.s32 @!p0 $0x1BF5;
	p2 =	por !p2, p0  }
0x20: {  	[sflag:s8] =	ssyncset.s32 @!p0 $0xFFFFF086;
	s6 =	sadd.s32 @!p0 s3, s7;
	s7 =	simm.s32 @!p0 $0x108  }
0x21: {  	s3 =	sadd.s32 s3, s9;
	s6 =	sadd.s32 @!p0 $0x88, s6;
	s7 =	simm.s32 @p2 $0x1082  }
0x22: {  	[simem:s7], [sflag:s8] =	dma.local @!p0 [hbm:s6], $0xF7A  }
0x23: {  	s9 =	sor.u32 $0xD0000000, s2;
	s6 =	simm.s32 $0x108;
	_ =	swait.ge @!p0 [sflag:s8], $0x0  }
0x24: {  	s3 =	sadd.s32 $0x88, s3;
	s6 =	simm.s32 @!p1 $0x1082;
	[sflag:s4] =	ssyncset.s32 $0xFFFFF086  }
0x25: {  	[simem:s6], [sflag:s4] =	dma.local [hbm:s3], $0xF7A  }
0x26: {  	[smem:$0x3F9C] =	sst s1;
	(tag) =	ssettag s2;
	_ =	strace s9  }
0x27: {  	s1 =	sld [smem:$0x3FAC]  }
0x28: {  	s2 =	sld [smem:$0x3FAD]  }
0x29: {  	s4 =	sld [smem:$0x3FAF]  }
0x2a: {  	p0 =	seq.s32 s5, $0x0;
	s5 =	sld [smem:$0x3FB0]  }
0x2b: {  	s6 =	sld [smem:$0x3FB1]  }
0x2c: {  	s7 =	sld [smem:$0x3FB2]  }
0x2d: {  	s3 =	simm.s32 $0x108;
	s8 =	sld [smem:$0x3FB3]  }
0x2e: {  	s3 =	simm.s32 @!p0 $0x1082;
	s9 =	sld [smem:$0x3FB4]  }
0x2f: {  	lr =	sadd.s32 s0, s3;
	s0 =	sld [smem:$0x3FAB]  }
0x30: {  	s3 =	sld [smem:$0x3FAE]  }
0x31: {  	[smem:$0x3FB7] =	sst s10  }
0x32: {  	s10 =	sld [smem:$0x3FB5];
	_ =	sdelay $0x3  }
0x33: {  	p0 =	seq.s32 s10, $0x1;
	s10 =	sld [smem:$0x3FB7];
	_ =	sdelay $0x3  }
0x34: {  	[smem:$0x3FB7] =	sst s10  }
0x35: {  	s10 =	sld [smem:$0x3FB6];
	_ =	sdelay $0x3  }
0x36: {  	p1 =	seq.s32 s10, $0x1;
	s10 =	sld [smem:$0x3FB7];
	_ =	sdelay $0x3  }
0x37: {  	[smem:$0x3FB7] =	sst s10  }
0x38: {  	s10 =	sld [smem:$0x3FB8]  }
0x39: {  	_ = 	snop;
	(pc) =	sbr.ind lr, $3  }
0x3a: {  	_ = 	snop  }
0x3b: {  	_ = 	snop  }
0x3c: {  	p2 =	seq.s32 s10, $0x1;
	s10 =	sld [smem:$0x3FB7]  }
0x3d: {  	_ =	shalt  }
0x3e: {  	_ =	shalt  }
0x3f: {  	_ =	shalt  }
0x40: {  	_ =	shalt  }
0x41: {  	_ =	shalt  }
0x42: {  	_ =	shalt  }
0x43: {  	_ =	shalt  }
0x44: {  	_ =	shalt  }
0x45: {  	_ =	shalt  }
0x46: {  	_ =	shalt  }
0x47: {  	_ =	shalt  }
0x48: {  	_ =	shalt  }
0x49: {  	_ =	shalt  }
0x4a: {  	_ =	shalt  }
0x4b: {  	_ =	shalt  }
0x4c: {  	_ =	shalt  }
0x4d: {  	_ =	shalt  }
0x4e: {  	_ =	shalt  }
0x4f: {  	_ =	shalt  }
0x50: {  	_ =	shalt  }
0x51: {  	_ =	shalt  }
0x52: {  	_ =	shalt  }
0x53: {  	_ =	shalt  }
0x54: {  	_ =	shalt  }
0x55: {  	_ =	shalt  }
0x56: {  	_ =	shalt  }
0x57: {  	_ =	shalt  }
0x58: {  	_ =	shalt  }
0x59: {  	_ =	shalt  }
0x5a: {  	_ =	shalt  }
0x5b: {  	_ =	shalt  }
0x5c: {  	_ =	shalt  }
0x5d: {  	_ =	shalt  }
0x5e: {  	_ =	shalt  }
0x5f: {  	_ =	shalt  }
0x60: {  	_ =	shalt  }
0x61: {  	_ =	shalt  }
0x62: {  	_ =	shalt  }
0x63: {  	_ =	shalt  }
0x64: {  	_ =	shalt  }
0x65: {  	_ =	shalt  }
0x66: {  	_ =	shalt  }
0x67: {  	_ =	shalt  }
0x68: {  	_ =	shalt  }
0x69: {  	_ =	shalt  }
0x6a: {  	_ =	shalt  }
0x6b: {  	_ =	shalt  }
0x6c: {  	_ =	shalt  }
0x6d: {  	_ =	shalt  }
0x6e: {  	_ =	shalt  }
0x6f: {  	_ =	shalt  }
0x70: {  	_ =	shalt  }
0x71: {  	_ =	shalt  }
0x72: {  	_ =	shalt  }
0x73: {  	_ =	shalt  }
0x74: {  	_ =	shalt  }
0x75: {  	_ =	shalt  }
0x76: {  	_ =	shalt  }
0x77: {  	_ =	shalt  }
0x78: {  	_ =	shalt  }
0x79: {  	_ =	shalt  }
0x7a: {  	_ =	shalt  }
0x7b: {  	_ =	shalt  }
0x7c: {  	_ =	shalt  }
0x7d: {  	_ =	shalt  }
0x7e: {  	_ =	shalt  }
0x7f: {  	_ =	shalt  }
0x80: {  	_ =	shalt  }
0x81: {  	_ =	shalt  }
0x82: {  	_ =	shalt  }
0x83: {  	_ =	shalt  }
0x84: {  	_ =	shalt  }
0x85: {  	_ =	shalt  }
0x86: {  	_ =	shalt  }
0x87: {  	_ =	shalt  }
.Lfunc_end0:
.L_simem_size_0:
called_computation_lowered:
.L_overlay_start_0:
0x88: {  	s2 =	sld [smem:$0x3FD9]  }
0x89: {  	s3 =	sld [smem:$0x3FFE];
	_ =	sdelay $0x1  }
0x8a: {  	s1 =	srdreg.scid  }
0x8b: {  	s0 =	sand.u32 $0x1, s1  }
0x8c: {  	s17 =	sshll.u32 s0, $0xA;
	s2 =	sadd.s32 s3, s2  }
0x8d: {  	s2 =	sadd.s32 s2, s17  }
0x8e: {  	[smem:$0x3FC3] =	sst s2  }
0x8f: {  	_ = 	snop  }
0x90: {  	s2 =	sld [smem:$0x3FD0];
	(tm) =	ssettm $0x1  }
0x91: {  	s18 =	sld [smem:$0x3FFB];
	_ =	sdelay $0x3  }
0x92: {  	_ =	strace s18  }
0x93: {  	s3 =	sld [smem:$0x3FFC];
	_ =	sdelay $0x3  }
0x94: {  	_ =	strace s3  }
0x95: {  	s3 =	sld [smem:$0x3FFD];
	_ =	sdelay $0x3  }
0x96: {  	_ =	strace s3  }
0x97: {  	_ =	strace $0x8FFFFFFF  }
0x98: {  	s19 =	sld [smem:$0x3FDB];
	_ =	sdelay $0x1  }
0x99: {  	s4 =	simm.s32 $_scs_section_size  }
0x9a: {  	s5 =	simm.s32 $_size__tile_overlayer_lowered;
	s6 =	simm.s32 $_tile_overlayer_lowered  }
0x9b: {  	s22 =	simm.s32 $0x1BFF;
	s21 =	sshll.u32 s6, $0x1;
	s3 =	sadd.s32 s4, s19  }
0x9c: {  	s7 =	simm.s32 $0x0;
	s20 =	sshll.u32 s5, $0x1;
	s5 =	sadd.s32 s21, s3  }
0x9d: {  	[timem:s7], [sflag:s22] =	dma.local [hbm:s5], s20  }
0x9e: {  	_ =	swait.ge [sflag:s22], s20  }
0x9f: {  	s4 =	ssub.s32 $0x0, s20;
	[sflag:s22] =	ssyncset.done $0x0  }
0xa0: {  	[sflag:s22] =	ssyncadd.s32 s4;
	_ =	sdelay $0x1  }
0xa1: {  	s23 =	simm.s32 $0x1B8B  }
0xa2: {  	_ =	swait.ge [sflag:s23], $0x1  }
0xa3: {  	[sflag:s23] =	ssyncset.done $0x0  }
0xa4: {  	s25 =	simm.s32 $0x1B8E;
	s24 =	sld [smem:$0x3FFE];
	[sflag:s23] =	ssyncadd.s32 $0xFFFFFFFF  }
0xa5: {  	s26 =	simm.s32 $execute0_lowered;
	[smem:$0x3FD2] =	sst s25  }
0xa6: {  	s5 =	sshll.u32 s26, $0x1;
	_ =	strace $0x80000046;
	[dreg:$0x1] =	wrdreg $0xFFFFFFFF  }
0xa7: {  	s28 =	simm.s32 $_size_execute0_lowered;
	s3 =	sadd.s32 s3, s5;
	[dreg:$0x0] =	wrdreg $0x0  }
0xa8: {  	s5 =	sshll.u32 s28, $0x1;
	[dreg:$0x2] =	wrdreg s3  }
0xa9: {  	[dreg:$0x3] =	wrdreg s5  }
0xaa: {  	[dreg:$0x4] =	wrdreg $0xC0  }
0xab: {  	_ =	task [dreg:s7], $0x5FFFF  }
0xac: {  	[dreg:$0x1] =	wrdreg $0xFFFFFFFF  }
0xad: {  	[dreg:$0x0] =	wrdreg $0x60  }
0xae: {  	[dreg:$0x2] =	wrdreg s2  }
0xaf: {  	[dreg:$0x3] =	wrdreg s24  }
0xb0: {  	[dreg:$0x4] =	wrdreg $0x9  }
0xb1: {  	_ =	task.clear_ibuf [dreg:s7], $0x5FFFF;
	_ =	strace $0x90000046  }
0xb2: {  	s29 =	simm.s32 $0x9;
	_ =	strace $0x80000048  }
0xb3: {  	_ =	swait.ge [sflag:s29], $0x1  }
0xb4: {  	[sflag:s29] =	ssyncadd.s32 $0xFFFFFFFF  }
0xb5: {  	_ =	strace $0x90000048  }
0xb6: {  	_ =	sfence  }
0xb7: {  	s30 =	sld [smem:$0x0];
	_ =	sdelay $0x2  }
0xb8: {  	s31 =	sshll.u32 s1, $0xD;
	s1 =	sshrl.u32 s1, $0x2  }
0xb9: {  	s3 =	sand.u32 $0x4000, s31;
	s1 =	sadd.s32 s1, s30  }
0xba: {  	s0 =	sor.u32 s3, s0;
	s1 =	sshll.u32 s1, $0x11  }
0xbb: {  	s0 =	sor.u32 s1, s0  }
0xbc: {  	s0 =	sadd.s32 $0x8F2B, s0  }
0xbd: {  	[sflag:s0] =	ssyncadd.remote.s32 $0x1  }
0xbe: {  	_ =	sfence.sel $0xFFFF  }
0xbf: {  	[dreg:$0x0] =	wrdreg $0xFFFFFFFF;
	(pc) =	sbr.abs _section_cstart, $3  }
0xc0: {  	[dreg:$0x1] =	wrdreg $0xFFFFFFFF  }
0xc1: {  	_ =	task.clear_ibuf [dreg:s7], $0x2FFFF;
	_ =	strace $0x9FFFFFFF  }
0xc2: {  	(tm) =	ssettm $0x7FFFFFFF  }
0xc3: {  	_ =	shalt  }
tec
execute0_lowered:
.L_overlay_start_1:
0x0: {  	(tag) =	ssettag $0x1  }
0x1: {  	s1 =	srdreg.scid  }
0x2: {  	s0 =	stileid.u32;
	s2 =	rddreg [dreg:$0x0]  }
0x3: {  	s3 =	rddreg [dreg:$0x1];
	s5 =	simm.s32 $0x1;
	s1 =	sshll.u32 s1, $0x5  }
0x4: {  	s8 =	simm.s32 $0x1;
	s4 =	sshll.u32 s0, $0x6;
	s1 =	sand.u32 $0x20, s1  }
0x5: {  	s9 =	simm.s32 $0x3;
	s10 =	simm.s32 $0x0;
	s4 =	sor.u32 s4, s1  }
0x6: {  	s13 =	simm.s32 $0x0;
	s1 =	rddreg [dreg:$0x2];
	s7 =	ssub.s32 $0x800, s4  }
.Ltmp0:
0x7: {  	_ =	strace $0x80000047;
	s6 =	sand.u32 $0x3E0, s7;
	(pc) =	sbr.rel .LBB2_1-.Ltmp0, $4  }
0x8: {  	s12 =	simm.s32 $0x0;
	[sflag:s5] =	ssyncpa.u1 $0x0;
	p0 =	sne.s32 s6, $0x0  }
0x9: {  	s7 =	sshrl.u32 s7, $0xA;
	s6 =	simm.s32 $0x2;
	s8 =	simm.s32 @!p0 $0x0  }
0xa: {  	s11 =	smov.u32 s4;
	[sflag:s6] =	ssyncpa.u1 $0x0;
	s7 =	sadd.s32 s8, s7  }
0xb: {  	vm0 =	vmmov $0xffff;
	s8 =	sadd.s32 $0x1000, s3;
	[sflag:s9] =	ssyncpa.u1 $0x0;
	s9 =	sadd.s32 $0x1, s7  }
.LBB2_5:
0xc: {  	s15 =	sadd.s32 $0x400, s11  }
0xd: {  	p1 =	sgt.s32 s15, $0x7FF  }
0xe: {  	s15 =	smov.u32 @p1 s4;
	p1 =	sne.s32 s12, s9  }
.Ltmp1:
0xf: {  	p0 =	slt.u32 s12, $0x2;
	(pc) =	sbr.rel @!p1 .LBB2_6-.Ltmp1, $4  }
0x10: {  	s14 =	simm.s32 @!p0 $0x3  }
0x11: {  	_ =	swait.ge @!p0 [sflag:s14], $0x20  }
0x12: {  	s16 =	sadd.s32 $0x1, s12;
	s13 =	smov.u32 s11;
	[sflag:s14] =	ssyncset.done @!p0 $0x0  }
0x13: {  	s12 =	smov.u32 s16;
	s11 =	smov.u32 s15;
	[sflag:s14] =	ssyncadd.s32 @!p0 $0xFFFFFFE0  }
.LBB2_1:
0x14: {  	p0 =	sge.u32 s12, s7  }
0x15: {  	s14 =	sxor.u32 @!p0 $0xFFFFFFFF, s12  }
0x16: {  	s31 =	sadd.s32 $0xFFFFFFFF, s12;
	s15 =	sshrl.u32 @!p0 s11, $0x3;
	s14 =	sshll.u32 @!p0 s14, $0x5  }
0x17: {  	s16 =	sand.u32 @!p0 $0x7, s11;
	s15 =	sadd.s32 @!p0 s8, s15;
	s14 =	sand.u32 @!p0 $0x20, s14  }
0x18: {  	[tilespmem:s14], [sflag:$0x2] =	stream.linear.gather @!p0 [hbm4b:s15+s16], $0x20, $0x38;
	[tilespmem:$0x80] =	vst v63  }
0x19: {  	p0 =	sge.u32 s31, s7  }
.Ltmp2:
0x1a: {  	_ = 	snop;
	(pc) =	sbr.rel @p0 .LBB2_5-.Ltmp2, $1  }
0x1b: {  	_ =	sdelay $0x3  }
0x1c: {  	_ =	swait.ge [sflag:s6], $0x20;
	s14 =	sshll.u32 s12, $0x5;
	s16 =	simm.s32 $0x0  }
0x1d: {  	p0 =	por $0x1, $0x1;
	[sflag:s6] =	ssyncset.done $0x0;
	s15 =	sand.u32 $0x20, s14  }
0x1e: {  	[sflag:s6] =	ssyncadd.s32 $0xFFFFFFE0;
	(ifvalue) =	ssetifvalue $0x7FFFFFFF;
	s14 =	sor.u32 $0x40, s15  }
.LBB2_3:
0x1f: {  	s17 =	sadd.s32 s16, s15  }
0x20: {  	v0 =	vld.msk [tilespmem:s17+$0x0 ss:$0x1], $0xffff;
	_ =	sdelay $0x4  }
0x21: {  	v1 =	vshll.u32 v0, $0x2  }
0x22: {  	vm1 =	veq.s32 v0, $0x80000000;
	v0 =	vand.u32 $0x1F, v0;
	v1 =	vand.u32 $0x1F80, v1  }
0x23: {  	v0 =	vsel vm1, $0xFFFFFFFF, v0;
	v1 =	vsel vm1, $0xFFFFFF80, v1  }
0x24: {  	v3 =	vand.u32 $0xFFFFFC00, v0;
	v2 =	vand.u32 $0xFFFFFC00, v1  }
0x25: {  	v1 =	vand.u32 $0x380, v1;
	v2 =	vadd.s32 v3, v2  }
0x26: {  	v0 =	vand.u32 $0x7F, v0;
	v1 =	vor.u32 v1, v2  }
0x27: {  	p1 =	por p0, p0;
	v0 =	vor.u32 v0, v1  }
.Ltmp3:
0x28: {  	_ = 	snop;
	(pc) =	sbr.rel @p1 .LBB2_3-.Ltmp3, $4  }
0x29: {  	_ = 	snop  }
0x2a: {  	s31 =	sadd.s32 s16, s14  }
0x2b: {  	s16 =	simm.s32 $0x10;
	p0 =	por $0x0, $0x0;
	(ifvalue) =	ssetifvalue $0x7FFFFFFF  }
0x2c: {  	[tilespmem:s31], [sflag:$0x1] =	stream.indirect_vreg.gather [hbm4b:s2+s10], $0x1, v0, vm0, $0x4038;
	[tilespmem:$0x80] =	vst v63  }
.Ltmp4:
0x2d: {  	(pc) =	sbr.rel .LBB2_5-.Ltmp4, $4  }
0x2e: {  	_ =	swait.ge [sflag:s5], $0x20  }
0x2f: {  	s15 =	sshrl.u32 s13, $0x3;
	[sflag:s5] =	ssyncset.done $0x0  }
0x30: {  	s31 =	sand.u32 $0x7, s13;
	s15 =	sadd.s32 s3, s15;
	[sflag:s5] =	ssyncadd.s32 $0xFFFFFFE0  }
0x31: {  	[hbm4b:s15+s31] =	stream.linear.scatter [tilespmem:s14], [sflag:$0x3], $0x20, $0x38;
	[tilespmem:$0x80] =	vst v63  }
.LBB2_6:
0x32: {  	_ =	sfence.sel $0x180000  }
0x33: {  	s2 =	simm.s32 $0x2;
	[bflag:$0x0] =	sbarrier.arrive $0xFFFF  }
0x34: {  	s30 =	simm.s32 $0x3;
	[sflag:s2] =	ssyncpa.u1 $0x1  }
0x35: {  	s31 =	simm.s32 $0x1;
	[sflag:s30] =	ssyncpa.u1 $0x1  }
0x36: {  	[sflag:s31] =	ssyncpa.u1 $0x1  }
0x37: {  	p0 =	sne.s32 s0, $0x0;
	_ =	strace $0x90000047  }
0x38: {  	s0 =	sadd.s32 @!p0 $0x100000, s1;
	[bflag:$0x2] =	sbarrier.arrive $0xFFFF  }
0x39: {  	[sflag:s0] =	ssyncadd.tile.s32 @!p0 $0x1;
	_ =	shalt  }
.Lfunc_end2:
_tile_overlayer_lowered:
.L_overlay_start_2:
0x3a: {  	(tag) =	ssettag $0x2  }
0x3b: {  	s0 =	rddreg [dreg:$0x0];
	s2 =	stileid.u32  }
0x3c: {  	s1 =	rddreg [dreg:$0x1];
	p0 =	sne.s32 s2, $0x0  }
0x3d: {  	s3 =	rddreg [dreg:$0x2];
	[bflag:$0x3] =	sbarrier.arrive $0xFFFF;
	s2 =	simm.s32 @!p0 $0x1C01  }
0x3e: {  	[timem:s3], [sflag:s2] =	dma.local @!p0 [hbm:s0], s1  }
0x3f: {  	s0 =	simm.s32 @!p0 $0x1  }
0x40: {  	_ =	swait.ge @!p0 [sflag:s0], s1  }
0x41: {  	s1 =	ssub.s32 @!p0 $0x0, s1;
	[sflag:s0] =	ssyncset.done @!p0 $0x0  }
0x42: {  	[sflag:s0] =	ssyncadd.s32 @!p0 s1  }
0x43: {  	[bflag:$0x3] =	sbarrier.arrive $0xFFFF  }
0x44: {  	_ =	shalt  }

</sc_bundles>
